<compile_context>
chip_gen: v7x
topology: tpu7x:2x2x1
jax: 0.10.2.dev20260603
libtpu: 0.0.44.dev20260713+nightly
codegen_flags: <defaults>
</compile_context>

<pallas_src>
import functools

import jax
import jax.numpy as jnp
from jax import lax
from jax.experimental import pallas as pl
from jax.experimental.pallas import tpu as pltpu
from jax.experimental.pallas import tpu_sc as plsc

L = 16
NW = 32
CH = 128


@functools.lru_cache(maxsize=None)
def _make_sc_kernel(n_rows, hidden, n_segments):
    segs_per_w = n_segments // NW
    offw = segs_per_w + 16
    nvec = hidden // L
    mesh = plsc.VectorSubcoreMesh(core_axis_name="c", subcore_axis_name="s")

    @functools.partial(
        pl.kernel,
        mesh=mesh,
        compiler_params=pltpu.CompilerParams(use_tc_tiling_on_sc=False),
        out_type=jax.ShapeDtypeStruct((n_segments, hidden), jnp.float32),
        scratch_types=[
            pltpu.VMEM((CH, hidden), jnp.float32),
            pltpu.VMEM((offw,), jnp.int32),
            pltpu.VMEM((segs_per_w, hidden), jnp.float32),
            pltpu.VMEM((4, L), jnp.float32),
        ],
    )
    def sc_kernel(x_hbm, off_hbm, w_hbm, out_hbm, xbuf, offb, obuf, wbuf):
        cid = lax.axis_index("c")
        sid = lax.axis_index("s")
        wid = sid * 2 + cid
        seg_base = wid * segs_per_w

        pltpu.sync_copy(off_hbm.at[pl.ds(pl.multiple_of(seg_base, 8), offw)],
                        offb)
        pltpu.sync_copy(w_hbm, wbuf)
        w0 = wbuf[0]
        w1 = wbuf[1]
        w2 = wbuf[2]

        zero = jnp.zeros((L,), jnp.float32)
        ninf = jnp.full((L,), jnp.finfo(jnp.float32).min, jnp.float32)

        def seg_body(sl, carry):
            ovec = offb[pl.ds(sl, L)]
            lo = ovec[0]
            hi = ovec[1]
            cnt = hi - lo
            nch = (cnt + CH - 1) // CH
            acc0 = tuple([zero] * nvec + [ninf] * nvec)

            def chunk_body(c, acc):
                base = lo + c * CH
                cbase = jnp.minimum(base, n_rows - CH)
                sh = base - cbase
                m = jnp.minimum(CH, cnt - c * CH)
                pltpu.sync_copy(x_hbm.at[pl.ds(cbase, CH)], xbuf)

                def row_body(r, a):
                    rows = [xbuf[r, pl.ds(j * L, L)] for j in range(nvec)]
                    sums = tuple(a[j] + rows[j] for j in range(nvec))
                    maxs = tuple(jnp.maximum(a[nvec + j], rows[j])
                                 for j in range(nvec))
                    return sums + maxs

                return lax.fori_loop(sh, sh + m, row_body, acc)

            acc = lax.fori_loop(0, nch, chunk_body, acc0)

            cntv = jnp.broadcast_to(cnt.astype(jnp.float32), (L,))
            rc = 1.0 / jnp.maximum(cntv, 1.0)
            av = w0 * rc + w2
            mw = w1 * jnp.minimum(cntv, 1.0)
            for j in range(nvec):
                obuf[sl, pl.ds(j * L, L)] = av * acc[j] + mw * acc[nvec + j]
            return carry

        lax.fori_loop(0, segs_per_w, seg_body, 0)
        pltpu.sync_copy(obuf, out_hbm.at[pl.ds(seg_base, segs_per_w)])

    return sc_kernel


@jax.jit
def kernel(x, batch, mask, weights):
    del mask
    n_rows, hidden = x.shape
    n_segments = 1024
    queries = jnp.arange(NW * (n_segments // NW) + 48, dtype=batch.dtype)
    off = jnp.searchsorted(batch, queries, side="left").astype(jnp.int32)
    wv = jnp.zeros((4, L), jnp.float32).at[:3, :].set(weights[:, None])
    return _make_sc_kernel(n_rows, hidden, n_segments)(x, off, wv)

# --- scband reference (transcript-rebuilt; emitter-appended) ---
"""Pipeline reference for scband-readout-mixed-op-4544075399256 (READ-ONLY COPY).

The authoritative reference and input builder live on the scoring server;
editing this copy changes nothing except your own understanding.
"""

import jax, jax.numpy as jnp
import numpy as np

NUM_SEGMENTS = 1024
N_NODES = 100000
HIDDEN = 128


def setup_inputs(seed: int = 0) -> dict:
    key = jax.random.key(seed)
    k1, k2, k3 = jax.random.split(key, 3)
    x = jax.random.normal(k1, (N_NODES, HIDDEN), dtype=jnp.float32)
    batch = jnp.sort(jax.random.randint(k2, (N_NODES,), 0, NUM_SEGMENTS, dtype=jnp.int32))
    mask = jnp.ones((N_NODES,), dtype=jnp.float32)
    weights = jax.random.uniform(k3, (3,), dtype=jnp.float32)
    return {"x": x, "batch": batch, "mask": mask, "weights": weights}


def reference(x, batch, mask, weights):
    # ReadoutMixedOp with READOUT_PRIMITIVES = [global_mean, global_max, global_add]
    # Each op is a segment reduction over graph ids `batch`; mask is carried through
    # the signature but unused by these pooling primitives (as in PAS readout ops).
    seg_sum = jax.ops.segment_sum(x, batch, num_segments=NUM_SEGMENTS)
    cnt = jax.ops.segment_sum(jnp.ones((x.shape[0],), dtype=x.dtype), batch,
                              num_segments=NUM_SEGMENTS)
    seg_mean = seg_sum / jnp.maximum(cnt, 1.0)[:, None]
    seg_max = jax.ops.segment_max(x, batch, num_segments=NUM_SEGMENTS)
    seg_max = jnp.where(cnt[:, None] > 0, seg_max, 0.0)
    mixed = weights[0] * seg_mean + weights[1] * seg_max + weights[2] * seg_sum
    return mixed

if __name__ == "__main__":
    import jax
    _d = setup_inputs()
    print(jax.jit(kernel)(*tuple(_d.values())))

</pallas_src>

<mosaic_0001>
#map = affine_map<(d0, d1) -> (0, 0)>
#map1 = affine_map<(d0, d1) -> (0)>
module attributes {stable_mosaic.version = 14 : i64} {
  func.func @sc_kernel(%arg0: i32, %arg1: i32, %arg2: memref<100000x128xf32, #tpu.memory_space<hbm>>, %arg3: memref<1072xi32, #tpu.memory_space<hbm>>, %arg4: memref<4x16xf32, #tpu.memory_space<hbm>>, %arg5: memref<1024x128xf32, #tpu.memory_space<hbm>>, %arg6: memref<128x128xf32, #tpu.memory_space<vmem>>, %arg7: memref<48xi32, #tpu.memory_space<vmem>>, %arg8: memref<32x128xf32, #tpu.memory_space<vmem>>, %arg9: memref<4x16xf32, #tpu.memory_space<vmem>>) attributes {dimension_semantics = [#tpu.dimension_semantics<core_parallel>, #tpu.dimension_semantics<subcore_parallel>], iteration_bounds = array<i64: 2, 16>, scalar_prefetch = 0 : i64, scratch_operands = 4 : i64, tpu.core_type = #tpu.core_type<sc_vector_subcore>, window_params = [{transform_indices = #map}, {transform_indices = #map1}, {transform_indices = #map}, {transform_indices = #map}]} {
    %mul3A = arith.constant 2 : i32
    %mul3A_0 = arith.muli %arg1, %mul3A : i32
    %add3A = arith.addi %mul3A_0, %arg0 : i32
    %mul3A_1 = arith.constant 32 : i32
    %mul3A_2 = arith.muli %add3A, %mul3A_1 : i32
    %multiple_of3A = tpu.assume_multiple %mul3A_2, 8 : i32
    "tpu.region"() ({
      %run_scoped3A = tpu.sem_alloc : memref<!tpu.dma_semaphore, #tpu.memory_space<semaphore_mem>>
      %dma_start3A = tpu.memref_slice %arg3[%multiple_of3A] : memref<1072xi32, #tpu.memory_space<hbm>> -> memref<48xi32, #tpu.memory_space<hbm>>
      %dma_start3A_25 = tpu.memref_slice %arg3[%multiple_of3A] : memref<1072xi32, #tpu.memory_space<hbm>> -> memref<48xi32, #tpu.memory_space<hbm>>
      tpu.enqueue_dma source(%dma_start3A_25 : memref<48xi32, #tpu.memory_space<hbm>>) target(%arg7 : memref<48xi32, #tpu.memory_space<vmem>>) target_semaphore(%run_scoped3A : memref<!tpu.dma_semaphore, #tpu.memory_space<semaphore_mem>>)
      %dma_wait3A = tpu.memref_slice %arg3[%multiple_of3A] : memref<1072xi32, #tpu.memory_space<hbm>> -> memref<48xi32, #tpu.memory_space<hbm>>
      %dma_wait3A_26 = tpu.memref_slice %arg3[%multiple_of3A] : memref<1072xi32, #tpu.memory_space<hbm>> -> memref<48xi32, #tpu.memory_space<hbm>>
      tpu.wait_dma2 semaphore(%run_scoped3A : memref<!tpu.dma_semaphore, #tpu.memory_space<semaphore_mem>>) src(%dma_wait3A_26 : memref<48xi32, #tpu.memory_space<hbm>>) dst(%arg7 : memref<48xi32, #tpu.memory_space<vmem>>)
      tpu.yield
    }) : () -> ()
    "tpu.region"() ({
      %run_scoped3A = tpu.sem_alloc : memref<!tpu.dma_semaphore, #tpu.memory_space<semaphore_mem>>
      tpu.enqueue_dma source(%arg4 : memref<4x16xf32, #tpu.memory_space<hbm>>) target(%arg9 : memref<4x16xf32, #tpu.memory_space<vmem>>) target_semaphore(%run_scoped3A : memref<!tpu.dma_semaphore, #tpu.memory_space<semaphore_mem>>)
      tpu.wait_dma2 semaphore(%run_scoped3A : memref<!tpu.dma_semaphore, #tpu.memory_space<semaphore_mem>>) src(%arg4 : memref<4x16xf32, #tpu.memory_space<hbm>>) dst(%arg9 : memref<4x16xf32, #tpu.memory_space<vmem>>)
      tpu.yield
    }) : () -> ()
    %get3A = arith.constant 0 : i32
    %get3A_3 = arith.index_cast %get3A : i32 to index
    %get3A_4 = arith.constant 0 : index
    %get3A_5 = tpu.vector_load %arg9[%get3A_3, %get3A_4] {strides = array<i32>} : memref<4x16xf32, #tpu.memory_space<vmem>>, vector<1x16xf32>,
    %get3A_6 = vector.shape_cast %get3A_5 : vector<1x16xf32> to vector<16xf32>
    %get3A_7 = arith.constant 1 : i32
    %get3A_8 = arith.index_cast %get3A_7 : i32 to index
    %get3A_9 = arith.constant 0 : index
    %get3A_10 = tpu.vector_load %arg9[%get3A_8, %get3A_9] {strides = array<i32>} : memref<4x16xf32, #tpu.memory_space<vmem>>, vector<1x16xf32>,
    %get3A_11 = vector.shape_cast %get3A_10 : vector<1x16xf32> to vector<16xf32>
    %get3A_12 = arith.constant 2 : i32
    %get3A_13 = arith.index_cast %get3A_12 : i32 to index
    %get3A_14 = arith.constant 0 : index
    %get3A_15 = tpu.vector_load %arg9[%get3A_13, %get3A_14] {strides = array<i32>} : memref<4x16xf32, #tpu.memory_space<vmem>>, vector<1x16xf32>,
    %get3A_16 = vector.shape_cast %get3A_15 : vector<1x16xf32> to vector<16xf32>
    %broadcast_in_dim3A = arith.constant 0.000000e+00 : f32
    %broadcast_in_dim3A_17 = vector.broadcast %broadcast_in_dim3A : f32 to vector<16xf32>
    %broadcast_in_dim3A_18 = arith.constant -3.40282347E+38 : f32
    %broadcast_in_dim3A_19 = vector.broadcast %broadcast_in_dim3A_18 : f32 to vector<16xf32>
    %scan3A = arith.constant 0 : i32
    %scan3A_20 = arith.constant 0 : i32
    %scan3A_21 = arith.constant 32 : i32
    %scan3A_22 = arith.addi %scan3A_20, %scan3A_21 : i32
    %scan3A_23 = arith.constant 1 : i32
    scf.for %scan3A_25 = %scan3A_20 to %scan3A_22 step %scan3A_23  : i32 {
      %get3A_26 = arith.index_cast %scan3A_25 : i32 to index
      %get3A_27 = tpu.vector_load %arg7[%get3A_26] {strides = array<i32>} : memref<48xi32, #tpu.memory_space<vmem>>, vector<16xi32>,
      %get3A_28 = vector.shape_cast %get3A_27 : vector<16xi32> to vector<16xi32>
      %slice3A = vector.extract_strided_slice %get3A_28 {offsets = [0], sizes = [1], strides = [1]} : vector<16xi32> to vector<1xi32>
      %squeeze3A = vector.extract %slice3A[0] : i32 from vector<1xi32>
      %slice3A_29 = vector.extract_strided_slice %get3A_28 {offsets = [1], sizes = [1], strides = [1]} : vector<16xi32> to vector<1xi32>
      %squeeze3A_30 = vector.extract %slice3A_29[0] : i32 from vector<1xi32>
      %sub3A = arith.subi %squeeze3A_30, %squeeze3A : i32
      %add3A_31 = arith.constant 128 : i32
      %add3A_32 = arith.addi %sub3A, %add3A_31 : i32
      %sub3A_33 = arith.constant 1 : i32
      %sub3A_34 = arith.subi %add3A_32, %sub3A_33 : i32
      %jit3A = arith.constant 128 : i32
      %div3A = arith.divsi %sub3A_34, %jit3A : i32
      %sign3A = arith.constant 0 : i32
      %sign3A_35 = arith.cmpi sgt, %sub3A_34, %sign3A : i32
      %sign3A_36 = arith.extui %sign3A_35 : i1 to i32
      %sign3A_37 = arith.constant 0 : i32
      %sign3A_38 = arith.cmpi slt, %sub3A_34, %sign3A_37 : i32
      %sign3A_39 = arith.extui %sign3A_38 : i1 to i32
      %sign3A_40 = arith.subi %sign3A_36, %sign3A_39 : i32
      %sign3A_41 = arith.constant 0 : i32
      %sign3A_42 = arith.cmpi sgt, %jit3A, %sign3A_41 : i32
      %sign3A_43 = arith.extui %sign3A_42 : i1 to i32
      %sign3A_44 = arith.constant 0 : i32
      %sign3A_45 = arith.cmpi slt, %jit3A, %sign3A_44 : i32
      %sign3A_46 = arith.extui %sign3A_45 : i1 to i32
      %sign3A_47 = arith.subi %sign3A_43, %sign3A_46 : i32
      %ne3A = arith.cmpi ne, %sign3A_40, %sign3A_47 : i32
      %rem3A = arith.remsi %sub3A_34, %jit3A : i32
      %ne3A_48 = arith.constant 0 : i32
      %ne3A_49 = arith.cmpi ne, %rem3A, %ne3A_48 : i32
      %and3A = arith.andi %ne3A, %ne3A_49 : i1
      %sub3A_50 = arith.constant 1 : i32
      %sub3A_51 = arith.subi %div3A, %sub3A_50 : i32
      %select_n3A = arith.select %and3A, %sub3A_51, %div3A : i32
      %while3A = arith.constant 0 : i32
      %while3A_52 = arith.subi %select_n3A, %while3A : i32
      %while3A_53 = arith.addi %while3A, %while3A_52 : i32
      %while3A_54 = arith.constant 1 : i32
      %while3A_55 = arith.divsi %while3A_52, %while3A_54 : i32
      %while3A_56 = arith.muli %while3A_55, %while3A_54 : i32
      %while3A_57 = arith.addi %while3A, %while3A_56 : i32
      %while3A_58 = arith.constant 1 : i32
      %while3A_59:16 = scf.for %while3A_136 = %while3A to %while3A_57 step %while3A_58 iter_args(%while3A_137 = %broadcast_in_dim3A_17, %while3A_138 = %broadcast_in_dim3A_17, %while3A_139 = %broadcast_in_dim3A_17, %while3A_140 = %broadcast_in_dim3A_17, %while3A_141 = %broadcast_in_dim3A_17, %while3A_142 = %broadcast_in_dim3A_17, %while3A_143 = %broadcast_in_dim3A_17, %while3A_144 = %broadcast_in_dim3A_17, %while3A_145 = %broadcast_in_dim3A_19, %while3A_146 = %broadcast_in_dim3A_19, %while3A_147 = %broadcast_in_dim3A_19, %while3A_148 = %broadcast_in_dim3A_19, %while3A_149 = %broadcast_in_dim3A_19, %while3A_150 = %broadcast_in_dim3A_19, %while3A_151 = %broadcast_in_dim3A_19, %while3A_152 = %broadcast_in_dim3A_19) -> (vector<16xf32>, vector<16xf32>, vector<16xf32>, vector<16xf32>, vector<16xf32>, vector<16xf32>, vector<16xf32>, vector<16xf32>, vector<16xf32>, vector<16xf32>, vector<16xf32>, vector<16xf32>, vector<16xf32>, vector<16xf32>, vector<16xf32>, vector<16xf32>)  : i32 {
        %mul3A_153 = arith.constant 128 : i32
        %mul3A_154 = arith.muli %while3A_136, %mul3A_153 : i32
        %add3A_155 = arith.addi %squeeze3A, %mul3A_154 : i32
        %min3A_156 = arith.constant 99872 : i32
        %min3A_157 = arith.minsi %add3A_155, %min3A_156 : i32
        %sub3A_158 = arith.subi %add3A_155, %min3A_157 : i32
        %mul3A_159 = arith.constant 128 : i32
        %mul3A_160 = arith.muli %while3A_136, %mul3A_159 : i32
        %sub3A_161 = arith.subi %sub3A, %mul3A_160 : i32
        %min3A_162 = arith.constant 128 : i32
        %min3A_163 = arith.minsi %min3A_162, %sub3A_161 : i32
        "tpu.region"() ({
          %run_scoped3A = tpu.sem_alloc : memref<!tpu.dma_semaphore, #tpu.memory_space<semaphore_mem>>
          %dma_start3A = arith.constant 0 : i32
          %dma_start3A_175 = tpu.memref_slice %arg2[%min3A_157, %dma_start3A] : memref<100000x128xf32, #tpu.memory_space<hbm>> -> memref<128x128xf32, #tpu.memory_space<hbm>>
          %dma_start3A_176 = arith.constant 0 : i32
          %dma_start3A_177 = tpu.memref_slice %arg2[%min3A_157, %dma_start3A_176] : memref<100000x128xf32, #tpu.memory_space<hbm>> -> memref<128x128xf32, #tpu.memory_space<hbm>>
          tpu.enqueue_dma source(%dma_start3A_177 : memref<128x128xf32, #tpu.memory_space<hbm>>) target(%arg6 : memref<128x128xf32, #tpu.memory_space<vmem>>) target_semaphore(%run_scoped3A : memref<!tpu.dma_semaphore, #tpu.memory_space<semaphore_mem>>)
          %dma_wait3A = arith.constant 0 : i32
          %dma_wait3A_178 = tpu.memref_slice %arg2[%min3A_157, %dma_wait3A] : memref<100000x128xf32, #tpu.memory_space<hbm>> -> memref<128x128xf32, #tpu.memory_space<hbm>>
          %dma_wait3A_179 = arith.constant 0 : i32
          %dma_wait3A_180 = tpu.memref_slice %arg2[%min3A_157, %dma_wait3A_179] : memref<100000x128xf32, #tpu.memory_space<hbm>> -> memref<128x128xf32, #tpu.memory_space<hbm>>
          tpu.wait_dma2 semaphore(%run_scoped3A : memref<!tpu.dma_semaphore, #tpu.memory_space<semaphore_mem>>) src(%dma_wait3A_180 : memref<128x128xf32, #tpu.memory_space<hbm>>) dst(%arg6 : memref<128x128xf32, #tpu.memory_space<vmem>>)
          tpu.yield
        }) : () -> ()
        %add3A_164 = arith.addi %sub3A_158, %min3A_163 : i32
        %while3A_165 = arith.subi %add3A_164, %sub3A_158 : i32
        %while3A_166 = arith.addi %sub3A_158, %while3A_165 : i32
        %while3A_167 = arith.constant 1 : i32
        %while3A_168 = arith.divsi %while3A_165, %while3A_167 : i32
        %while3A_169 = arith.muli %while3A_168, %while3A_167 : i32
        %while3A_170 = arith.addi %sub3A_158, %while3A_169 : i32
        %while3A_171 = arith.constant 1 : i32
        %while3A_172:16 = scf.for %while3A_175 = %sub3A_158 to %while3A_170 step %while3A_171 iter_args(%while3A_176 = %while3A_137, %while3A_177 = %while3A_138, %while3A_178 = %while3A_139, %while3A_179 = %while3A_140, %while3A_180 = %while3A_141, %while3A_181 = %while3A_142, %while3A_182 = %while3A_143, %while3A_183 = %while3A_144, %while3A_184 = %while3A_145, %while3A_185 = %while3A_146, %while3A_186 = %while3A_147, %while3A_187 = %while3A_148, %while3A_188 = %while3A_149, %while3A_189 = %while3A_150, %while3A_190 = %while3A_151, %while3A_191 = %while3A_152) -> (vector<16xf32>, vector<16xf32>, vector<16xf32>, vector<16xf32>, vector<16xf32>, vector<16xf32>, vector<16xf32>, vector<16xf32>, vector<16xf32>, vector<16xf32>, vector<16xf32>, vector<16xf32>, vector<16xf32>, vector<16xf32>, vector<16xf32>, vector<16xf32>)  : i32 {
          %get3A_192 = arith.index_cast %while3A_175 : i32 to index
          %get3A_193 = arith.constant 0 : index
          %get3A_194 = tpu.vector_load %arg6[%get3A_192, %get3A_193] {strides = array<i32>} : memref<128x128xf32, #tpu.memory_space<vmem>>, vector<1x16xf32>,
          %get3A_195 = vector.shape_cast %get3A_194 : vector<1x16xf32> to vector<16xf32>
          %get3A_196 = arith.index_cast %while3A_175 : i32 to index
          %get3A_197 = arith.constant 16 : index
          %get3A_198 = tpu.vector_load %arg6[%get3A_196, %get3A_197] {strides = array<i32>} : memref<128x128xf32, #tpu.memory_space<vmem>>, vector<1x16xf32>,
          %get3A_199 = vector.shape_cast %get3A_198 : vector<1x16xf32> to vector<16xf32>
          %get3A_200 = arith.index_cast %while3A_175 : i32 to index
          %get3A_201 = arith.constant 32 : index
          %get3A_202 = tpu.vector_load %arg6[%get3A_200, %get3A_201] {strides = array<i32>} : memref<128x128xf32, #tpu.memory_space<vmem>>, vector<1x16xf32>,
          %get3A_203 = vector.shape_cast %get3A_202 : vector<1x16xf32> to vector<16xf32>
          %get3A_204 = arith.index_cast %while3A_175 : i32 to index
          %get3A_205 = arith.constant 48 : index
          %get3A_206 = tpu.vector_load %arg6[%get3A_204, %get3A_205] {strides = array<i32>} : memref<128x128xf32, #tpu.memory_space<vmem>>, vector<1x16xf32>,
          %get3A_207 = vector.shape_cast %get3A_206 : vector<1x16xf32> to vector<16xf32>
          %get3A_208 = arith.index_cast %while3A_175 : i32 to index
          %get3A_209 = arith.constant 64 : index
          %get3A_210 = tpu.vector_load %arg6[%get3A_208, %get3A_209] {strides = array<i32>} : memref<128x128xf32, #tpu.memory_space<vmem>>, vector<1x16xf32>,
          %get3A_211 = vector.shape_cast %get3A_210 : vector<1x16xf32> to vector<16xf32>
          %get3A_212 = arith.index_cast %while3A_175 : i32 to index
          %get3A_213 = arith.constant 80 : index
          %get3A_214 = tpu.vector_load %arg6[%get3A_212, %get3A_213] {strides = array<i32>} : memref<128x128xf32, #tpu.memory_space<vmem>>, vector<1x16xf32>,
          %get3A_215 = vector.shape_cast %get3A_214 : vector<1x16xf32> to vector<16xf32>
          %get3A_216 = arith.index_cast %while3A_175 : i32 to index
          %get3A_217 = arith.constant 96 : index
          %get3A_218 = tpu.vector_load %arg6[%get3A_216, %get3A_217] {strides = array<i32>} : memref<128x128xf32, #tpu.memory_space<vmem>>, vector<1x16xf32>,
          %get3A_219 = vector.shape_cast %get3A_218 : vector<1x16xf32> to vector<16xf32>
          %get3A_220 = arith.index_cast %while3A_175 : i32 to index
          %get3A_221 = arith.constant 112 : index
          %get3A_222 = tpu.vector_load %arg6[%get3A_220, %get3A_221] {strides = array<i32>} : memref<128x128xf32, #tpu.memory_space<vmem>>, vector<1x16xf32>,
          %get3A_223 = vector.shape_cast %get3A_222 : vector<1x16xf32> to vector<16xf32>
          %add3A_224 = arith.addf %while3A_176, %get3A_195 : vector<16xf32>
          %add3A_225 = arith.addf %while3A_177, %get3A_199 : vector<16xf32>
          %add3A_226 = arith.addf %while3A_178, %get3A_203 : vector<16xf32>
          %add3A_227 = arith.addf %while3A_179, %get3A_207 : vector<16xf32>
          %add3A_228 = arith.addf %while3A_180, %get3A_211 : vector<16xf32>
          %add3A_229 = arith.addf %while3A_181, %get3A_215 : vector<16xf32>
          %add3A_230 = arith.addf %while3A_182, %get3A_219 : vector<16xf32>
          %add3A_231 = arith.addf %while3A_183, %get3A_223 : vector<16xf32>
          %max3A_232 = arith.maximumf %while3A_184, %get3A_195 : vector<16xf32>
          %max3A_233 = arith.maximumf %while3A_185, %get3A_199 : vector<16xf32>
          %max3A_234 = arith.maximumf %while3A_186, %get3A_203 : vector<16xf32>
          %max3A_235 = arith.maximumf %while3A_187, %get3A_207 : vector<16xf32>
          %max3A_236 = arith.maximumf %while3A_188, %get3A_211 : vector<16xf32>
          %max3A_237 = arith.maximumf %while3A_189, %get3A_215 : vector<16xf32>
          %max3A_238 = arith.maximumf %while3A_190, %get3A_219 : vector<16xf32>
          %max3A_239 = arith.maximumf %while3A_191, %get3A_223 : vector<16xf32>
          scf.yield %add3A_224, %add3A_225, %add3A_226, %add3A_227, %add3A_228, %add3A_229, %add3A_230, %add3A_231, %max3A_232, %max3A_233, %max3A_234, %max3A_235, %max3A_236, %max3A_237, %max3A_238, %max3A_239 : vector<16xf32>, vector<16xf32>, vector<16xf32>, vector<16xf32>, vector<16xf32>, vector<16xf32>, vector<16xf32>, vector<16xf32>, vector<16xf32>, vector<16xf32>, vector<16xf32>, vector<16xf32>, vector<16xf32>, vector<16xf32>, vector<16xf32>, vector<16xf32>
        }
        %while3A_173 = arith.constant 1 : i32
        %while3A_174:16 = scf.for %while3A_175 = %while3A_170 to %while3A_166 step %while3A_173 iter_args(%while3A_176 = %while3A_172#0, %while3A_177 = %while3A_172#1, %while3A_178 = %while3A_172#2, %while3A_179 = %while3A_172#3, %while3A_180 = %while3A_172#4, %while3A_181 = %while3A_172#5, %while3A_182 = %while3A_172#6, %while3A_183 = %while3A_172#7, %while3A_184 = %while3A_172#8, %while3A_185 = %while3A_172#9, %while3A_186 = %while3A_172#10, %while3A_187 = %while3A_172#11, %while3A_188 = %while3A_172#12, %while3A_189 = %while3A_172#13, %while3A_190 = %while3A_172#14, %while3A_191 = %while3A_172#15) -> (vector<16xf32>, vector<16xf32>, vector<16xf32>, vector<16xf32>, vector<16xf32>, vector<16xf32>, vector<16xf32>, vector<16xf32>, vector<16xf32>, vector<16xf32>, vector<16xf32>, vector<16xf32>, vector<16xf32>, vector<16xf32>, vector<16xf32>, vector<16xf32>)  : i32 {
          %get3A_192 = arith.index_cast %while3A_175 : i32 to index
          %get3A_193 = arith.constant 0 : index
          %get3A_194 = tpu.vector_load %arg6[%get3A_192, %get3A_193] {strides = array<i32>} : memref<128x128xf32, #tpu.memory_space<vmem>>, vector<1x16xf32>,
          %get3A_195 = vector.shape_cast %get3A_194 : vector<1x16xf32> to vector<16xf32>
          %get3A_196 = arith.index_cast %while3A_175 : i32 to index
          %get3A_197 = arith.constant 16 : index
          %get3A_198 = tpu.vector_load %arg6[%get3A_196, %get3A_197] {strides = array<i32>} : memref<128x128xf32, #tpu.memory_space<vmem>>, vector<1x16xf32>,
          %get3A_199 = vector.shape_cast %get3A_198 : vector<1x16xf32> to vector<16xf32>
          %get3A_200 = arith.index_cast %while3A_175 : i32 to index
          %get3A_201 = arith.constant 32 : index
          %get3A_202 = tpu.vector_load %arg6[%get3A_200, %get3A_201] {strides = array<i32>} : memref<128x128xf32, #tpu.memory_space<vmem>>, vector<1x16xf32>,
          %get3A_203 = vector.shape_cast %get3A_202 : vector<1x16xf32> to vector<16xf32>
          %get3A_204 = arith.index_cast %while3A_175 : i32 to index
          %get3A_205 = arith.constant 48 : index
          %get3A_206 = tpu.vector_load %arg6[%get3A_204, %get3A_205] {strides = array<i32>} : memref<128x128xf32, #tpu.memory_space<vmem>>, vector<1x16xf32>,
          %get3A_207 = vector.shape_cast %get3A_206 : vector<1x16xf32> to vector<16xf32>
          %get3A_208 = arith.index_cast %while3A_175 : i32 to index
          %get3A_209 = arith.constant 64 : index
          %get3A_210 = tpu.vector_load %arg6[%get3A_208, %get3A_209] {strides = array<i32>} : memref<128x128xf32, #tpu.memory_space<vmem>>, vector<1x16xf32>,
          %get3A_211 = vector.shape_cast %get3A_210 : vector<1x16xf32> to vector<16xf32>
          %get3A_212 = arith.index_cast %while3A_175 : i32 to index
          %get3A_213 = arith.constant 80 : index
          %get3A_214 = tpu.vector_load %arg6[%get3A_212, %get3A_213] {strides = array<i32>} : memref<128x128xf32, #tpu.memory_space<vmem>>, vector<1x16xf32>,
          %get3A_215 = vector.shape_cast %get3A_214 : vector<1x16xf32> to vector<16xf32>
          %get3A_216 = arith.index_cast %while3A_175 : i32 to index
          %get3A_217 = arith.constant 96 : index
          %get3A_218 = tpu.vector_load %arg6[%get3A_216, %get3A_217] {strides = array<i32>} : memref<128x128xf32, #tpu.memory_space<vmem>>, vector<1x16xf32>,
          %get3A_219 = vector.shape_cast %get3A_218 : vector<1x16xf32> to vector<16xf32>
          %get3A_220 = arith.index_cast %while3A_175 : i32 to index
          %get3A_221 = arith.constant 112 : index
          %get3A_222 = tpu.vector_load %arg6[%get3A_220, %get3A_221] {strides = array<i32>} : memref<128x128xf32, #tpu.memory_space<vmem>>, vector<1x16xf32>,
          %get3A_223 = vector.shape_cast %get3A_222 : vector<1x16xf32> to vector<16xf32>
          %add3A_224 = arith.addf %while3A_176, %get3A_195 : vector<16xf32>
          %add3A_225 = arith.addf %while3A_177, %get3A_199 : vector<16xf32>
          %add3A_226 = arith.addf %while3A_178, %get3A_203 : vector<16xf32>
          %add3A_227 = arith.addf %while3A_179, %get3A_207 : vector<16xf32>
          %add3A_228 = arith.addf %while3A_180, %get3A_211 : vector<16xf32>
          %add3A_229 = arith.addf %while3A_181, %get3A_215 : vector<16xf32>
          %add3A_230 = arith.addf %while3A_182, %get3A_219 : vector<16xf32>
          %add3A_231 = arith.addf %while3A_183, %get3A_223 : vector<16xf32>
          %max3A_232 = arith.maximumf %while3A_184, %get3A_195 : vector<16xf32>
          %max3A_233 = arith.maximumf %while3A_185, %get3A_199 : vector<16xf32>
          %max3A_234 = arith.maximumf %while3A_186, %get3A_203 : vector<16xf32>
          %max3A_235 = arith.maximumf %while3A_187, %get3A_207 : vector<16xf32>
          %max3A_236 = arith.maximumf %while3A_188, %get3A_211 : vector<16xf32>
          %max3A_237 = arith.maximumf %while3A_189, %get3A_215 : vector<16xf32>
          %max3A_238 = arith.maximumf %while3A_190, %get3A_219 : vector<16xf32>
          %max3A_239 = arith.maximumf %while3A_191, %get3A_223 : vector<16xf32>
          scf.yield %add3A_224, %add3A_225, %add3A_226, %add3A_227, %add3A_228, %add3A_229, %add3A_230, %add3A_231, %max3A_232, %max3A_233, %max3A_234, %max3A_235, %max3A_236, %max3A_237, %max3A_238, %max3A_239 : vector<16xf32>, vector<16xf32>, vector<16xf32>, vector<16xf32>, vector<16xf32>, vector<16xf32>, vector<16xf32>, vector<16xf32>, vector<16xf32>, vector<16xf32>, vector<16xf32>, vector<16xf32>, vector<16xf32>, vector<16xf32>, vector<16xf32>, vector<16xf32>
        }
        scf.yield %while3A_174#0, %while3A_174#1, %while3A_174#2, %while3A_174#3, %while3A_174#4, %while3A_174#5, %while3A_174#6, %while3A_174#7, %while3A_174#8, %while3A_174#9, %while3A_174#10, %while3A_174#11, %while3A_174#12, %while3A_174#13, %while3A_174#14, %while3A_174#15 : vector<16xf32>, vector<16xf32>, vector<16xf32>, vector<16xf32>, vector<16xf32>, vector<16xf32>, vector<16xf32>, vector<16xf32>, vector<16xf32>, vector<16xf32>, vector<16xf32>, vector<16xf32>, vector<16xf32>, vector<16xf32>, vector<16xf32>, vector<16xf32>
      }
      %while3A_60 = arith.constant 1 : i32
      %while3A_61:16 = scf.for %while3A_136 = %while3A_57 to %while3A_53 step %while3A_60 iter_args(%while3A_137 = %while3A_59#0, %while3A_138 = %while3A_59#1, %while3A_139 = %while3A_59#2, %while3A_140 = %while3A_59#3, %while3A_141 = %while3A_59#4, %while3A_142 = %while3A_59#5, %while3A_143 = %while3A_59#6, %while3A_144 = %while3A_59#7, %while3A_145 = %while3A_59#8, %while3A_146 = %while3A_59#9, %while3A_147 = %while3A_59#10, %while3A_148 = %while3A_59#11, %while3A_149 = %while3A_59#12, %while3A_150 = %while3A_59#13, %while3A_151 = %while3A_59#14, %while3A_152 = %while3A_59#15) -> (vector<16xf32>, vector<16xf32>, vector<16xf32>, vector<16xf32>, vector<16xf32>, vector<16xf32>, vector<16xf32>, vector<16xf32>, vector<16xf32>, vector<16xf32>, vector<16xf32>, vector<16xf32>, vector<16xf32>, vector<16xf32>, vector<16xf32>, vector<16xf32>)  : i32 {
        %mul3A_153 = arith.constant 128 : i32
        %mul3A_154 = arith.muli %while3A_136, %mul3A_153 : i32
        %add3A_155 = arith.addi %squeeze3A, %mul3A_154 : i32
        %min3A_156 = arith.constant 99872 : i32
        %min3A_157 = arith.minsi %add3A_155, %min3A_156 : i32
        %sub3A_158 = arith.subi %add3A_155, %min3A_157 : i32
        %mul3A_159 = arith.constant 128 : i32
        %mul3A_160 = arith.muli %while3A_136, %mul3A_159 : i32
        %sub3A_161 = arith.subi %sub3A, %mul3A_160 : i32
        %min3A_162 = arith.constant 128 : i32
        %min3A_163 = arith.minsi %min3A_162, %sub3A_161 : i32
        "tpu.region"() ({
          %run_scoped3A = tpu.sem_alloc : memref<!tpu.dma_semaphore, #tpu.memory_space<semaphore_mem>>
          %dma_start3A = arith.constant 0 : i32
          %dma_start3A_175 = tpu.memref_slice %arg2[%min3A_157, %dma_start3A] : memref<100000x128xf32, #tpu.memory_space<hbm>> -> memref<128x128xf32, #tpu.memory_space<hbm>>
          %dma_start3A_176 = arith.constant 0 : i32
          %dma_start3A_177 = tpu.memref_slice %arg2[%min3A_157, %dma_start3A_176] : memref<100000x128xf32, #tpu.memory_space<hbm>> -> memref<128x128xf32, #tpu.memory_space<hbm>>
          tpu.enqueue_dma source(%dma_start3A_177 : memref<128x128xf32, #tpu.memory_space<hbm>>) target(%arg6 : memref<128x128xf32, #tpu.memory_space<vmem>>) target_semaphore(%run_scoped3A : memref<!tpu.dma_semaphore, #tpu.memory_space<semaphore_mem>>)
          %dma_wait3A = arith.constant 0 : i32
          %dma_wait3A_178 = tpu.memref_slice %arg2[%min3A_157, %dma_wait3A] : memref<100000x128xf32, #tpu.memory_space<hbm>> -> memref<128x128xf32, #tpu.memory_space<hbm>>
          %dma_wait3A_179 = arith.constant 0 : i32
          %dma_wait3A_180 = tpu.memref_slice %arg2[%min3A_157, %dma_wait3A_179] : memref<100000x128xf32, #tpu.memory_space<hbm>> -> memref<128x128xf32, #tpu.memory_space<hbm>>
          tpu.wait_dma2 semaphore(%run_scoped3A : memref<!tpu.dma_semaphore, #tpu.memory_space<semaphore_mem>>) src(%dma_wait3A_180 : memref<128x128xf32, #tpu.memory_space<hbm>>) dst(%arg6 : memref<128x128xf32, #tpu.memory_space<vmem>>)
          tpu.yield
        }) : () -> ()
        %add3A_164 = arith.addi %sub3A_158, %min3A_163 : i32
        %while3A_165 = arith.subi %add3A_164, %sub3A_158 : i32
        %while3A_166 = arith.addi %sub3A_158, %while3A_165 : i32
        %while3A_167 = arith.constant 1 : i32
        %while3A_168 = arith.divsi %while3A_165, %while3A_167 : i32
        %while3A_169 = arith.muli %while3A_168, %while3A_167 : i32
        %while3A_170 = arith.addi %sub3A_158, %while3A_169 : i32
        %while3A_171 = arith.constant 1 : i32
        %while3A_172:16 = scf.for %while3A_175 = %sub3A_158 to %while3A_170 step %while3A_171 iter_args(%while3A_176 = %while3A_137, %while3A_177 = %while3A_138, %while3A_178 = %while3A_139, %while3A_179 = %while3A_140, %while3A_180 = %while3A_141, %while3A_181 = %while3A_142, %while3A_182 = %while3A_143, %while3A_183 = %while3A_144, %while3A_184 = %while3A_145, %while3A_185 = %while3A_146, %while3A_186 = %while3A_147, %while3A_187 = %while3A_148, %while3A_188 = %while3A_149, %while3A_189 = %while3A_150, %while3A_190 = %while3A_151, %while3A_191 = %while3A_152) -> (vector<16xf32>, vector<16xf32>, vector<16xf32>, vector<16xf32>, vector<16xf32>, vector<16xf32>, vector<16xf32>, vector<16xf32>, vector<16xf32>, vector<16xf32>, vector<16xf32>, vector<16xf32>, vector<16xf32>, vector<16xf32>, vector<16xf32>, vector<16xf32>)  : i32 {
          %get3A_192 = arith.index_cast %while3A_175 : i32 to index
          %get3A_193 = arith.constant 0 : index
          %get3A_194 = tpu.vector_load %arg6[%get3A_192, %get3A_193] {strides = array<i32>} : memref<128x128xf32, #tpu.memory_space<vmem>>, vector<1x16xf32>,
          %get3A_195 = vector.shape_cast %get3A_194 : vector<1x16xf32> to vector<16xf32>
          %get3A_196 = arith.index_cast %while3A_175 : i32 to index
          %get3A_197 = arith.constant 16 : index
          %get3A_198 = tpu.vector_load %arg6[%get3A_196, %get3A_197] {strides = array<i32>} : memref<128x128xf32, #tpu.memory_space<vmem>>, vector<1x16xf32>,
          %get3A_199 = vector.shape_cast %get3A_198 : vector<1x16xf32> to vector<16xf32>
          %get3A_200 = arith.index_cast %while3A_175 : i32 to index
          %get3A_201 = arith.constant 32 : index
          %get3A_202 = tpu.vector_load %arg6[%get3A_200, %get3A_201] {strides = array<i32>} : memref<128x128xf32, #tpu.memory_space<vmem>>, vector<1x16xf32>,
          %get3A_203 = vector.shape_cast %get3A_202 : vector<1x16xf32> to vector<16xf32>
          %get3A_204 = arith.index_cast %while3A_175 : i32 to index
          %get3A_205 = arith.constant 48 : index
          %get3A_206 = tpu.vector_load %arg6[%get3A_204, %get3A_205] {strides = array<i32>} : memref<128x128xf32, #tpu.memory_space<vmem>>, vector<1x16xf32>,
          %get3A_207 = vector.shape_cast %get3A_206 : vector<1x16xf32> to vector<16xf32>
          %get3A_208 = arith.index_cast %while3A_175 : i32 to index
          %get3A_209 = arith.constant 64 : index
          %get3A_210 = tpu.vector_load %arg6[%get3A_208, %get3A_209] {strides = array<i32>} : memref<128x128xf32, #tpu.memory_space<vmem>>, vector<1x16xf32>,
          %get3A_211 = vector.shape_cast %get3A_210 : vector<1x16xf32> to vector<16xf32>
          %get3A_212 = arith.index_cast %while3A_175 : i32 to index
          %get3A_213 = arith.constant 80 : index
          %get3A_214 = tpu.vector_load %arg6[%get3A_212, %get3A_213] {strides = array<i32>} : memref<128x128xf32, #tpu.memory_space<vmem>>, vector<1x16xf32>,
          %get3A_215 = vector.shape_cast %get3A_214 : vector<1x16xf32> to vector<16xf32>
          %get3A_216 = arith.index_cast %while3A_175 : i32 to index
          %get3A_217 = arith.constant 96 : index
          %get3A_218 = tpu.vector_load %arg6[%get3A_216, %get3A_217] {strides = array<i32>} : memref<128x128xf32, #tpu.memory_space<vmem>>, vector<1x16xf32>,
          %get3A_219 = vector.shape_cast %get3A_218 : vector<1x16xf32> to vector<16xf32>
          %get3A_220 = arith.index_cast %while3A_175 : i32 to index
          %get3A_221 = arith.constant 112 : index
          %get3A_222 = tpu.vector_load %arg6[%get3A_220, %get3A_221] {strides = array<i32>} : memref<128x128xf32, #tpu.memory_space<vmem>>, vector<1x16xf32>,
          %get3A_223 = vector.shape_cast %get3A_222 : vector<1x16xf32> to vector<16xf32>
          %add3A_224 = arith.addf %while3A_176, %get3A_195 : vector<16xf32>
          %add3A_225 = arith.addf %while3A_177, %get3A_199 : vector<16xf32>
          %add3A_226 = arith.addf %while3A_178, %get3A_203 : vector<16xf32>
          %add3A_227 = arith.addf %while3A_179, %get3A_207 : vector<16xf32>
          %add3A_228 = arith.addf %while3A_180, %get3A_211 : vector<16xf32>
          %add3A_229 = arith.addf %while3A_181, %get3A_215 : vector<16xf32>
          %add3A_230 = arith.addf %while3A_182, %get3A_219 : vector<16xf32>
          %add3A_231 = arith.addf %while3A_183, %get3A_223 : vector<16xf32>
          %max3A_232 = arith.maximumf %while3A_184, %get3A_195 : vector<16xf32>
          %max3A_233 = arith.maximumf %while3A_185, %get3A_199 : vector<16xf32>
          %max3A_234 = arith.maximumf %while3A_186, %get3A_203 : vector<16xf32>
          %max3A_235 = arith.maximumf %while3A_187, %get3A_207 : vector<16xf32>
          %max3A_236 = arith.maximumf %while3A_188, %get3A_211 : vector<16xf32>
          %max3A_237 = arith.maximumf %while3A_189, %get3A_215 : vector<16xf32>
          %max3A_238 = arith.maximumf %while3A_190, %get3A_219 : vector<16xf32>
          %max3A_239 = arith.maximumf %while3A_191, %get3A_223 : vector<16xf32>
          scf.yield %add3A_224, %add3A_225, %add3A_226, %add3A_227, %add3A_228, %add3A_229, %add3A_230, %add3A_231, %max3A_232, %max3A_233, %max3A_234, %max3A_235, %max3A_236, %max3A_237, %max3A_238, %max3A_239 : vector<16xf32>, vector<16xf32>, vector<16xf32>, vector<16xf32>, vector<16xf32>, vector<16xf32>, vector<16xf32>, vector<16xf32>, vector<16xf32>, vector<16xf32>, vector<16xf32>, vector<16xf32>, vector<16xf32>, vector<16xf32>, vector<16xf32>, vector<16xf32>
        }
        %while3A_173 = arith.constant 1 : i32
        %while3A_174:16 = scf.for %while3A_175 = %while3A_170 to %while3A_166 step %while3A_173 iter_args(%while3A_176 = %while3A_172#0, %while3A_177 = %while3A_172#1, %while3A_178 = %while3A_172#2, %while3A_179 = %while3A_172#3, %while3A_180 = %while3A_172#4, %while3A_181 = %while3A_172#5, %while3A_182 = %while3A_172#6, %while3A_183 = %while3A_172#7, %while3A_184 = %while3A_172#8, %while3A_185 = %while3A_172#9, %while3A_186 = %while3A_172#10, %while3A_187 = %while3A_172#11, %while3A_188 = %while3A_172#12, %while3A_189 = %while3A_172#13, %while3A_190 = %while3A_172#14, %while3A_191 = %while3A_172#15) -> (vector<16xf32>, vector<16xf32>, vector<16xf32>, vector<16xf32>, vector<16xf32>, vector<16xf32>, vector<16xf32>, vector<16xf32>, vector<16xf32>, vector<16xf32>, vector<16xf32>, vector<16xf32>, vector<16xf32>, vector<16xf32>, vector<16xf32>, vector<16xf32>)  : i32 {
          %get3A_192 = arith.index_cast %while3A_175 : i32 to index
          %get3A_193 = arith.constant 0 : index
          %get3A_194 = tpu.vector_load %arg6[%get3A_192, %get3A_193] {strides = array<i32>} : memref<128x128xf32, #tpu.memory_space<vmem>>, vector<1x16xf32>,
          %get3A_195 = vector.shape_cast %get3A_194 : vector<1x16xf32> to vector<16xf32>
          %get3A_196 = arith.index_cast %while3A_175 : i32 to index
          %get3A_197 = arith.constant 16 : index
          %get3A_198 = tpu.vector_load %arg6[%get3A_196, %get3A_197] {strides = array<i32>} : memref<128x128xf32, #tpu.memory_space<vmem>>, vector<1x16xf32>,
          %get3A_199 = vector.shape_cast %get3A_198 : vector<1x16xf32> to vector<16xf32>
          %get3A_200 = arith.index_cast %while3A_175 : i32 to index
          %get3A_201 = arith.constant 32 : index
          %get3A_202 = tpu.vector_load %arg6[%get3A_200, %get3A_201] {strides = array<i32>} : memref<128x128xf32, #tpu.memory_space<vmem>>, vector<1x16xf32>,
          %get3A_203 = vector.shape_cast %get3A_202 : vector<1x16xf32> to vector<16xf32>
          %get3A_204 = arith.index_cast %while3A_175 : i32 to index
          %get3A_205 = arith.constant 48 : index
          %get3A_206 = tpu.vector_load %arg6[%get3A_204, %get3A_205] {strides = array<i32>} : memref<128x128xf32, #tpu.memory_space<vmem>>, vector<1x16xf32>,
          %get3A_207 = vector.shape_cast %get3A_206 : vector<1x16xf32> to vector<16xf32>
          %get3A_208 = arith.index_cast %while3A_175 : i32 to index
          %get3A_209 = arith.constant 64 : index
          %get3A_210 = tpu.vector_load %arg6[%get3A_208, %get3A_209] {strides = array<i32>} : memref<128x128xf32, #tpu.memory_space<vmem>>, vector<1x16xf32>,
          %get3A_211 = vector.shape_cast %get3A_210 : vector<1x16xf32> to vector<16xf32>
          %get3A_212 = arith.index_cast %while3A_175 : i32 to index
          %get3A_213 = arith.constant 80 : index
          %get3A_214 = tpu.vector_load %arg6[%get3A_212, %get3A_213] {strides = array<i32>} : memref<128x128xf32, #tpu.memory_space<vmem>>, vector<1x16xf32>,
          %get3A_215 = vector.shape_cast %get3A_214 : vector<1x16xf32> to vector<16xf32>
          %get3A_216 = arith.index_cast %while3A_175 : i32 to index
          %get3A_217 = arith.constant 96 : index
          %get3A_218 = tpu.vector_load %arg6[%get3A_216, %get3A_217] {strides = array<i32>} : memref<128x128xf32, #tpu.memory_space<vmem>>, vector<1x16xf32>,
          %get3A_219 = vector.shape_cast %get3A_218 : vector<1x16xf32> to vector<16xf32>
          %get3A_220 = arith.index_cast %while3A_175 : i32 to index
          %get3A_221 = arith.constant 112 : index
          %get3A_222 = tpu.vector_load %arg6[%get3A_220, %get3A_221] {strides = array<i32>} : memref<128x128xf32, #tpu.memory_space<vmem>>, vector<1x16xf32>,
          %get3A_223 = vector.shape_cast %get3A_222 : vector<1x16xf32> to vector<16xf32>
          %add3A_224 = arith.addf %while3A_176, %get3A_195 : vector<16xf32>
          %add3A_225 = arith.addf %while3A_177, %get3A_199 : vector<16xf32>
          %add3A_226 = arith.addf %while3A_178, %get3A_203 : vector<16xf32>
          %add3A_227 = arith.addf %while3A_179, %get3A_207 : vector<16xf32>
          %add3A_228 = arith.addf %while3A_180, %get3A_211 : vector<16xf32>
          %add3A_229 = arith.addf %while3A_181, %get3A_215 : vector<16xf32>
          %add3A_230 = arith.addf %while3A_182, %get3A_219 : vector<16xf32>
          %add3A_231 = arith.addf %while3A_183, %get3A_223 : vector<16xf32>
          %max3A_232 = arith.maximumf %while3A_184, %get3A_195 : vector<16xf32>
          %max3A_233 = arith.maximumf %while3A_185, %get3A_199 : vector<16xf32>
          %max3A_234 = arith.maximumf %while3A_186, %get3A_203 : vector<16xf32>
          %max3A_235 = arith.maximumf %while3A_187, %get3A_207 : vector<16xf32>
          %max3A_236 = arith.maximumf %while3A_188, %get3A_211 : vector<16xf32>
          %max3A_237 = arith.maximumf %while3A_189, %get3A_215 : vector<16xf32>
          %max3A_238 = arith.maximumf %while3A_190, %get3A_219 : vector<16xf32>
          %max3A_239 = arith.maximumf %while3A_191, %get3A_223 : vector<16xf32>
          scf.yield %add3A_224, %add3A_225, %add3A_226, %add3A_227, %add3A_228, %add3A_229, %add3A_230, %add3A_231, %max3A_232, %max3A_233, %max3A_234, %max3A_235, %max3A_236, %max3A_237, %max3A_238, %max3A_239 : vector<16xf32>, vector<16xf32>, vector<16xf32>, vector<16xf32>, vector<16xf32>, vector<16xf32>, vector<16xf32>, vector<16xf32>, vector<16xf32>, vector<16xf32>, vector<16xf32>, vector<16xf32>, vector<16xf32>, vector<16xf32>, vector<16xf32>, vector<16xf32>
        }
        scf.yield %while3A_174#0, %while3A_174#1, %while3A_174#2, %while3A_174#3, %while3A_174#4, %while3A_174#5, %while3A_174#6, %while3A_174#7, %while3A_174#8, %while3A_174#9, %while3A_174#10, %while3A_174#11, %while3A_174#12, %while3A_174#13, %while3A_174#14, %while3A_174#15 : vector<16xf32>, vector<16xf32>, vector<16xf32>, vector<16xf32>, vector<16xf32>, vector<16xf32>, vector<16xf32>, vector<16xf32>, vector<16xf32>, vector<16xf32>, vector<16xf32>, vector<16xf32>, vector<16xf32>, vector<16xf32>, vector<16xf32>, vector<16xf32>
      }
      %convert_element_type3A = arith.sitofp %sub3A : i32 to f32
      %broadcast_in_dim3A_62 = vector.broadcast %convert_element_type3A : f32 to vector<16xf32>
      %max3A = arith.constant 1.000000e+00 : f32
      %max3A_63 = vector.broadcast %max3A : f32 to vector<16xf32>
      %max3A_64 = arith.maximumf %broadcast_in_dim3A_62, %max3A_63 : vector<16xf32>
      %div3A_65 = arith.constant 1.000000e+00 : f32
      %div3A_66 = vector.broadcast %div3A_65 : f32 to vector<16xf32>
      %div3A_67 = arith.divf %div3A_66, %max3A_64 : vector<16xf32>
      %mul3A_68 = arith.mulf %get3A_6, %div3A_67 : vector<16xf32>
      %add3A_69 = arith.addf %mul3A_68, %get3A_16 : vector<16xf32>
      %min3A = arith.constant 1.000000e+00 : f32
      %min3A_70 = vector.broadcast %min3A : f32 to vector<16xf32>
      %min3A_71 = arith.minimumf %broadcast_in_dim3A_62, %min3A_70 : vector<16xf32>
      %mul3A_72 = arith.mulf %get3A_11, %min3A_71 : vector<16xf32>
      %mul3A_73 = arith.mulf %add3A_69, %while3A_61#0 : vector<16xf32>
      %mul3A_74 = arith.mulf %mul3A_72, %while3A_61#8 : vector<16xf32>
      %add3A_75 = arith.addf %mul3A_73, %mul3A_74 : vector<16xf32>
      %swap3A = arith.index_cast %scan3A_25 : i32 to index
      %swap3A_76 = arith.constant 0 : index
      %swap3A_77 = tpu.vector_load %arg8[%swap3A, %swap3A_76] {strides = array<i32>} : memref<32x128xf32, #tpu.memory_space<vmem>>, vector<1x16xf32>,
      %swap3A_78 = vector.shape_cast %swap3A_77 : vector<1x16xf32> to vector<16xf32>
      %swap3A_79 = vector.shape_cast %add3A_75 : vector<16xf32> to vector<1x16xf32>
      tpu.vector_store %arg8[%swap3A, %swap3A_76], %swap3A_79 {strides = array<i32>} : memref<32x128xf32, #tpu.memory_space<vmem>>, vector<1x16xf32>,
      %mul3A_80 = arith.mulf %add3A_69, %while3A_61#1 : vector<16xf32>
      %mul3A_81 = arith.mulf %mul3A_72, %while3A_61#9 : vector<16xf32>
      %add3A_82 = arith.addf %mul3A_80, %mul3A_81 : vector<16xf32>
      %swap3A_83 = arith.index_cast %scan3A_25 : i32 to index
      %swap3A_84 = arith.constant 16 : index
      %swap3A_85 = tpu.vector_load %arg8[%swap3A_83, %swap3A_84] {strides = array<i32>} : memref<32x128xf32, #tpu.memory_space<vmem>>, vector<1x16xf32>,
      %swap3A_86 = vector.shape_cast %swap3A_85 : vector<1x16xf32> to vector<16xf32>
      %swap3A_87 = vector.shape_cast %add3A_82 : vector<16xf32> to vector<1x16xf32>
      tpu.vector_store %arg8[%swap3A_83, %swap3A_84], %swap3A_87 {strides = array<i32>} : memref<32x128xf32, #tpu.memory_space<vmem>>, vector<1x16xf32>,
      %mul3A_88 = arith.mulf %add3A_69, %while3A_61#2 : vector<16xf32>
      %mul3A_89 = arith.mulf %mul3A_72, %while3A_61#10 : vector<16xf32>
      %add3A_90 = arith.addf %mul3A_88, %mul3A_89 : vector<16xf32>
      %swap3A_91 = arith.index_cast %scan3A_25 : i32 to index
      %swap3A_92 = arith.constant 32 : index
      %swap3A_93 = tpu.vector_load %arg8[%swap3A_91, %swap3A_92] {strides = array<i32>} : memref<32x128xf32, #tpu.memory_space<vmem>>, vector<1x16xf32>,
      %swap3A_94 = vector.shape_cast %swap3A_93 : vector<1x16xf32> to vector<16xf32>
      %swap3A_95 = vector.shape_cast %add3A_90 : vector<16xf32> to vector<1x16xf32>
      tpu.vector_store %arg8[%swap3A_91, %swap3A_92], %swap3A_95 {strides = array<i32>} : memref<32x128xf32, #tpu.memory_space<vmem>>, vector<1x16xf32>,
      %mul3A_96 = arith.mulf %add3A_69, %while3A_61#3 : vector<16xf32>
      %mul3A_97 = arith.mulf %mul3A_72, %while3A_61#11 : vector<16xf32>
      %add3A_98 = arith.addf %mul3A_96, %mul3A_97 : vector<16xf32>
      %swap3A_99 = arith.index_cast %scan3A_25 : i32 to index
      %swap3A_100 = arith.constant 48 : index
      %swap3A_101 = tpu.vector_load %arg8[%swap3A_99, %swap3A_100] {strides = array<i32>} : memref<32x128xf32, #tpu.memory_space<vmem>>, vector<1x16xf32>,
      %swap3A_102 = vector.shape_cast %swap3A_101 : vector<1x16xf32> to vector<16xf32>
      %swap3A_103 = vector.shape_cast %add3A_98 : vector<16xf32> to vector<1x16xf32>
      tpu.vector_store %arg8[%swap3A_99, %swap3A_100], %swap3A_103 {strides = array<i32>} : memref<32x128xf32, #tpu.memory_space<vmem>>, vector<1x16xf32>,
      %mul3A_104 = arith.mulf %add3A_69, %while3A_61#4 : vector<16xf32>
      %mul3A_105 = arith.mulf %mul3A_72, %while3A_61#12 : vector<16xf32>
      %add3A_106 = arith.addf %mul3A_104, %mul3A_105 : vector<16xf32>
      %swap3A_107 = arith.index_cast %scan3A_25 : i32 to index
      %swap3A_108 = arith.constant 64 : index
      %swap3A_109 = tpu.vector_load %arg8[%swap3A_107, %swap3A_108] {strides = array<i32>} : memref<32x128xf32, #tpu.memory_space<vmem>>, vector<1x16xf32>,
      %swap3A_110 = vector.shape_cast %swap3A_109 : vector<1x16xf32> to vector<16xf32>
      %swap3A_111 = vector.shape_cast %add3A_106 : vector<16xf32> to vector<1x16xf32>
      tpu.vector_store %arg8[%swap3A_107, %swap3A_108], %swap3A_111 {strides = array<i32>} : memref<32x128xf32, #tpu.memory_space<vmem>>, vector<1x16xf32>,
      %mul3A_112 = arith.mulf %add3A_69, %while3A_61#5 : vector<16xf32>
      %mul3A_113 = arith.mulf %mul3A_72, %while3A_61#13 : vector<16xf32>
      %add3A_114 = arith.addf %mul3A_112, %mul3A_113 : vector<16xf32>
      %swap3A_115 = arith.index_cast %scan3A_25 : i32 to index
      %swap3A_116 = arith.constant 80 : index
      %swap3A_117 = tpu.vector_load %arg8[%swap3A_115, %swap3A_116] {strides = array<i32>} : memref<32x128xf32, #tpu.memory_space<vmem>>, vector<1x16xf32>,
      %swap3A_118 = vector.shape_cast %swap3A_117 : vector<1x16xf32> to vector<16xf32>
      %swap3A_119 = vector.shape_cast %add3A_114 : vector<16xf32> to vector<1x16xf32>
      tpu.vector_store %arg8[%swap3A_115, %swap3A_116], %swap3A_119 {strides = array<i32>} : memref<32x128xf32, #tpu.memory_space<vmem>>, vector<1x16xf32>,
      %mul3A_120 = arith.mulf %add3A_69, %while3A_61#6 : vector<16xf32>
      %mul3A_121 = arith.mulf %mul3A_72, %while3A_61#14 : vector<16xf32>
      %add3A_122 = arith.addf %mul3A_120, %mul3A_121 : vector<16xf32>
      %swap3A_123 = arith.index_cast %scan3A_25 : i32 to index
      %swap3A_124 = arith.constant 96 : index
      %swap3A_125 = tpu.vector_load %arg8[%swap3A_123, %swap3A_124] {strides = array<i32>} : memref<32x128xf32, #tpu.memory_space<vmem>>, vector<1x16xf32>,
      %swap3A_126 = vector.shape_cast %swap3A_125 : vector<1x16xf32> to vector<16xf32>
      %swap3A_127 = vector.shape_cast %add3A_122 : vector<16xf32> to vector<1x16xf32>
      tpu.vector_store %arg8[%swap3A_123, %swap3A_124], %swap3A_127 {strides = array<i32>} : memref<32x128xf32, #tpu.memory_space<vmem>>, vector<1x16xf32>,
      %mul3A_128 = arith.mulf %add3A_69, %while3A_61#7 : vector<16xf32>
      %mul3A_129 = arith.mulf %mul3A_72, %while3A_61#15 : vector<16xf32>
      %add3A_130 = arith.addf %mul3A_128, %mul3A_129 : vector<16xf32>
      %swap3A_131 = arith.index_cast %scan3A_25 : i32 to index
      %swap3A_132 = arith.constant 112 : index
      %swap3A_133 = tpu.vector_load %arg8[%swap3A_131, %swap3A_132] {strides = array<i32>} : memref<32x128xf32, #tpu.memory_space<vmem>>, vector<1x16xf32>,
      %swap3A_134 = vector.shape_cast %swap3A_133 : vector<1x16xf32> to vector<16xf32>
      %swap3A_135 = vector.shape_cast %add3A_130 : vector<16xf32> to vector<1x16xf32>
      tpu.vector_store %arg8[%swap3A_131, %swap3A_132], %swap3A_135 {strides = array<i32>} : memref<32x128xf32, #tpu.memory_space<vmem>>, vector<1x16xf32>,
    }
    %scan3A_24 = arith.constant 32 : i32
    "tpu.region"() ({
      %run_scoped3A = tpu.sem_alloc : memref<!tpu.dma_semaphore, #tpu.memory_space<semaphore_mem>>
      %dma_start3A = arith.constant 0 : i32
      %dma_start3A_25 = tpu.memref_slice %arg5[%mul3A_2, %dma_start3A] : memref<1024x128xf32, #tpu.memory_space<hbm>> -> memref<32x128xf32, #tpu.memory_space<hbm>>
      %dma_start3A_26 = arith.constant 0 : i32
      %dma_start3A_27 = tpu.memref_slice %arg5[%mul3A_2, %dma_start3A_26] : memref<1024x128xf32, #tpu.memory_space<hbm>> -> memref<32x128xf32, #tpu.memory_space<hbm>>
      tpu.enqueue_dma source(%arg8 : memref<32x128xf32, #tpu.memory_space<vmem>>) target(%dma_start3A_27 : memref<32x128xf32, #tpu.memory_space<hbm>>) target_semaphore(%run_scoped3A : memref<!tpu.dma_semaphore, #tpu.memory_space<semaphore_mem>>)
      %dma_wait3A = arith.constant 0 : i32
      %dma_wait3A_28 = tpu.memref_slice %arg5[%mul3A_2, %dma_wait3A] : memref<1024x128xf32, #tpu.memory_space<hbm>> -> memref<32x128xf32, #tpu.memory_space<hbm>>
      %dma_wait3A_29 = arith.constant 0 : i32
      %dma_wait3A_30 = tpu.memref_slice %arg5[%mul3A_2, %dma_wait3A_29] : memref<1024x128xf32, #tpu.memory_space<hbm>> -> memref<32x128xf32, #tpu.memory_space<hbm>>
      tpu.wait_dma2 semaphore(%run_scoped3A : memref<!tpu.dma_semaphore, #tpu.memory_space<semaphore_mem>>) src(%arg8 : memref<32x128xf32, #tpu.memory_space<vmem>>) dst(%dma_wait3A_30 : memref<32x128xf32, #tpu.memory_space<hbm>>)
      tpu.yield
    }) : () -> ()
    return
  }
}

</mosaic_0001>

<sc_bundles>
// kernel: gather_offload_async_start
scs
__scs_entry_jumppad:
0x0: {  	(pc) =	sbr.rel $0x88, $3  }
0x1: {  	(tag) =	ssettag $0x0;
	lr =	simm.s32 $0x1  }
0x2: {  	[smem:$0x3F9E] =	sst lr;
	_ =	strace $0xD0000000  }
0x3: {  	_ = 	snop  }
0x4: {  	_ = 	snop  }
0x5: {  	_ = 	snop  }
0x6: {  	_ = 	snop  }
0x7: {  	_ = 	snop  }
__scs_overlays_trampoline_lowered:
0x8: {  	[smem:$0x3FAD] =	sst s0  }
0x9: {  	[smem:$0x3FAE] =	sst s1  }
0xa: {  	[smem:$0x3FAF] =	sst s2  }
0xb: {  	[smem:$0x3FB0] =	sst s3  }
0xc: {  	[smem:$0x3FB1] =	sst s4  }
0xd: {  	[smem:$0x3FB2] =	sst s5  }
0xe: {  	[smem:$0x3FB3] =	sst s6  }
0xf: {  	[smem:$0x3FB4] =	sst s7  }
0x10: {  	[smem:$0x3FB5] =	sst s8  }
0x11: {  	[smem:$0x3FB6] =	sst s9;
	s0 =	simm.s32 @!p0 $0x0  }
0x12: {  	s1 =	sld [smem:$0x3F9C];
	s0 =	simm.s32 @p0 $0x1  }
0x13: {  	[smem:$0x3FB7] =	sst s0;
	s0 =	simm.s32 @!p1 $0x0  }
0x14: {  	s2 =	sld [smem:$0x3F9B];
	s0 =	simm.s32 @p1 $0x1  }
0x15: {  	[smem:$0x3FB8] =	sst s0;
	s0 =	simm.s32 @!p2 $0x0  }
0x16: {  	s3 =	sld [smem:$0x3FDB];
	s0 =	simm.s32 @p2 $0x1  }
0x17: {  	s4 =	simm.s32 $0x1BF5;
	[smem:$0x3FBA] =	sst s0  }
0x18: {  	s0 =	sld [smem:$0x3F9D];
	_ =	swait.ge [sflag:s4], $0x0  }
0x19: {  	s7 =	sld [smem:$0x3F9E]  }
0x1a: {  	s8 =	sadd.s32 $0xFFFFE003, lr  }
0x1b: {  	s9 =	sadd.s32 $0xFFFFFEF7, lr;
	s5 =	simm.s32 $0xFFFFFFFF;
	p2 =	slt.u32 s8, $0xFFFFF086  }
0x1c: {  	p1 =	slt.u32 s9, $0xF7A;
	s5 =	simm.s32 @!p2 $0x0  }
0x1d: {  	s5 =	simm.s32 @p1 $0x1;
	p0 =	seq.s32 s7, s2  }
0x1e: {  	s7 =	smul.u32 @!p0 $0xF7A, s2;
	p2 =	seq.s32 @!p0 s5, $0x0  }
0x1f: {  	s9 =	smul.u32 $0xF7A, s1;
	s8 =	simm.s32 @!p0 $0x1BF5;
	p2 =	por !p2, p0  }
0x20: {  	[sflag:s8] =	ssyncset.s32 @!p0 $0xFFFFF086;
	s6 =	sadd.s32 @!p0 s3, s7;
	s7 =	simm.s32 @!p0 $0x108  }
0x21: {  	s3 =	sadd.s32 s3, s9;
	s6 =	sadd.s32 @!p0 $0x88, s6;
	s7 =	simm.s32 @p2 $0x1082  }
0x22: {  	[simem:s7], [sflag:s8] =	dma.local @!p0 [hbm:s6], $0xF7A  }
0x23: {  	s9 =	sor.u32 $0xD0000000, s2;
	s6 =	simm.s32 $0x108;
	_ =	swait.ge @!p0 [sflag:s8], $0x0  }
0x24: {  	s3 =	sadd.s32 $0x88, s3;
	s6 =	simm.s32 @!p1 $0x1082;
	[sflag:s4] =	ssyncset.s32 $0xFFFFF086  }
0x25: {  	[simem:s6], [sflag:s4] =	dma.local [hbm:s3], $0xF7A  }
0x26: {  	[smem:$0x3F9E] =	sst s1;
	(tag) =	ssettag s2;
	_ =	strace s9  }
0x27: {  	s1 =	sld [smem:$0x3FAE]  }
0x28: {  	s2 =	sld [smem:$0x3FAF]  }
0x29: {  	s4 =	sld [smem:$0x3FB1]  }
0x2a: {  	p0 =	seq.s32 s5, $0x0;
	s5 =	sld [smem:$0x3FB2]  }
0x2b: {  	s6 =	sld [smem:$0x3FB3]  }
0x2c: {  	s7 =	sld [smem:$0x3FB4]  }
0x2d: {  	s3 =	simm.s32 $0x108;
	s8 =	sld [smem:$0x3FB5]  }
0x2e: {  	s3 =	simm.s32 @!p0 $0x1082;
	s9 =	sld [smem:$0x3FB6]  }
0x2f: {  	lr =	sadd.s32 s0, s3;
	s0 =	sld [smem:$0x3FAD]  }
0x30: {  	s3 =	sld [smem:$0x3FB0]  }
0x31: {  	[smem:$0x3FB9] =	sst s10  }
0x32: {  	s10 =	sld [smem:$0x3FB7];
	_ =	sdelay $0x3  }
0x33: {  	p0 =	seq.s32 s10, $0x1;
	s10 =	sld [smem:$0x3FB9];
	_ =	sdelay $0x3  }
0x34: {  	[smem:$0x3FB9] =	sst s10  }
0x35: {  	s10 =	sld [smem:$0x3FB8];
	_ =	sdelay $0x3  }
0x36: {  	p1 =	seq.s32 s10, $0x1;
	s10 =	sld [smem:$0x3FB9];
	_ =	sdelay $0x3  }
0x37: {  	[smem:$0x3FB9] =	sst s10  }
0x38: {  	s10 =	sld [smem:$0x3FBA]  }
0x39: {  	_ = 	snop;
	(pc) =	sbr.ind lr, $3  }
0x3a: {  	_ = 	snop  }
0x3b: {  	_ = 	snop  }
0x3c: {  	p2 =	seq.s32 s10, $0x1;
	s10 =	sld [smem:$0x3FB9]  }
0x3d: {  	_ =	shalt  }
0x3e: {  	_ =	shalt  }
0x3f: {  	_ =	shalt  }
0x40: {  	_ =	shalt  }
0x41: {  	_ =	shalt  }
0x42: {  	_ =	shalt  }
0x43: {  	_ =	shalt  }
0x44: {  	_ =	shalt  }
0x45: {  	_ =	shalt  }
0x46: {  	_ =	shalt  }
0x47: {  	_ =	shalt  }
0x48: {  	_ =	shalt  }
0x49: {  	_ =	shalt  }
0x4a: {  	_ =	shalt  }
0x4b: {  	_ =	shalt  }
0x4c: {  	_ =	shalt  }
0x4d: {  	_ =	shalt  }
0x4e: {  	_ =	shalt  }
0x4f: {  	_ =	shalt  }
0x50: {  	_ =	shalt  }
0x51: {  	_ =	shalt  }
0x52: {  	_ =	shalt  }
0x53: {  	_ =	shalt  }
0x54: {  	_ =	shalt  }
0x55: {  	_ =	shalt  }
0x56: {  	_ =	shalt  }
0x57: {  	_ =	shalt  }
0x58: {  	_ =	shalt  }
0x59: {  	_ =	shalt  }
0x5a: {  	_ =	shalt  }
0x5b: {  	_ =	shalt  }
0x5c: {  	_ =	shalt  }
0x5d: {  	_ =	shalt  }
0x5e: {  	_ =	shalt  }
0x5f: {  	_ =	shalt  }
0x60: {  	_ =	shalt  }
0x61: {  	_ =	shalt  }
0x62: {  	_ =	shalt  }
0x63: {  	_ =	shalt  }
0x64: {  	_ =	shalt  }
0x65: {  	_ =	shalt  }
0x66: {  	_ =	shalt  }
0x67: {  	_ =	shalt  }
0x68: {  	_ =	shalt  }
0x69: {  	_ =	shalt  }
0x6a: {  	_ =	shalt  }
0x6b: {  	_ =	shalt  }
0x6c: {  	_ =	shalt  }
0x6d: {  	_ =	shalt  }
0x6e: {  	_ =	shalt  }
0x6f: {  	_ =	shalt  }
0x70: {  	_ =	shalt  }
0x71: {  	_ =	shalt  }
0x72: {  	_ =	shalt  }
0x73: {  	_ =	shalt  }
0x74: {  	_ =	shalt  }
0x75: {  	_ =	shalt  }
0x76: {  	_ =	shalt  }
0x77: {  	_ =	shalt  }
0x78: {  	_ =	shalt  }
0x79: {  	_ =	shalt  }
0x7a: {  	_ =	shalt  }
0x7b: {  	_ =	shalt  }
0x7c: {  	_ =	shalt  }
0x7d: {  	_ =	shalt  }
0x7e: {  	_ =	shalt  }
0x7f: {  	_ =	shalt  }
0x80: {  	_ =	shalt  }
0x81: {  	_ =	shalt  }
0x82: {  	_ =	shalt  }
0x83: {  	_ =	shalt  }
0x84: {  	_ =	shalt  }
0x85: {  	_ =	shalt  }
0x86: {  	_ =	shalt  }
0x87: {  	_ =	shalt  }
.Lfunc_end0:
.L_simem_size_0:
called_computation_lowered:
.L_overlay_start_0:
0x88: {  	s0 =	sld [smem:$0x3FD9]  }
0x89: {  	s1 =	sld [smem:$0x3FFE];
	_ =	sdelay $0x3  }
0x8a: {  	s0 =	sadd.s32 s1, s0  }
0x8b: {  	[smem:$0x3FC5] =	sst s0  }
0x8c: {  	_ = 	snop  }
0x8d: {  	s0 =	sld [smem:$0x3FC8]  }
0x8e: {  	s16 =	sld [smem:$0x3FD0];
	(tm) =	ssettm $0x1  }
0x8f: {  	s2 =	sld [smem:$0x3FFB];
	_ =	sdelay $0x3  }
0x90: {  	_ =	strace s2  }
0x91: {  	s2 =	sld [smem:$0x3FFC];
	_ =	sdelay $0x3  }
0x92: {  	_ =	strace s2  }
0x93: {  	s2 =	sld [smem:$0x3FFD];
	_ =	sdelay $0x3  }
0x94: {  	_ =	strace s2  }
0x95: {  	_ =	strace $0x8FFFFFFF  }
0x96: {  	s17 =	sld [smem:$0x3FDB];
	_ =	sdelay $0x1  }
0x97: {  	s3 =	simm.s32 $_scs_section_size  }
0x98: {  	s4 =	simm.s32 $_size__tile_overlayer_lowered;
	s5 =	simm.s32 $_tile_overlayer_lowered  }
0x99: {  	s20 =	simm.s32 $0x1BFF;
	s19 =	sshll.u32 s5, $0x1;
	s2 =	sadd.s32 s3, s17  }
0x9a: {  	s6 =	simm.s32 $0x0;
	s18 =	sshll.u32 s4, $0x1;
	s4 =	sadd.s32 s19, s2  }
0x9b: {  	[timem:s6], [sflag:s20] =	dma.local [hbm:s4], s18  }
0x9c: {  	_ =	swait.ge [sflag:s20], s18  }
0x9d: {  	s3 =	ssub.s32 $0x0, s18;
	[sflag:s20] =	ssyncset.done $0x0  }
0x9e: {  	[sflag:s20] =	ssyncadd.s32 s3;
	_ =	sdelay $0x1  }
0x9f: {  	s21 =	simm.s32 $0x1B8B  }
0xa0: {  	_ =	swait.ge [sflag:s21], $0x1  }
0xa1: {  	[sflag:s21] =	ssyncset.done $0x0  }
0xa2: {  	s23 =	simm.s32 $0x1B8E;
	s22 =	sld [smem:$0x3FFE];
	[sflag:s21] =	ssyncadd.s32 $0xFFFFFFFF  }
0xa3: {  	s24 =	simm.s32 $execute0_lowered;
	[smem:$0x3FD2] =	sst s23  }
0xa4: {  	s4 =	sshll.u32 s24, $0x1;
	_ =	strace $0x80000049;
	[dreg:$0x1] =	wrdreg $0xFFFFFFFF  }
0xa5: {  	s25 =	simm.s32 $_size_execute0_lowered;
	s2 =	sadd.s32 s2, s4;
	[dreg:$0x0] =	wrdreg $0x0  }
0xa6: {  	s4 =	sshll.u32 s25, $0x1;
	[dreg:$0x2] =	wrdreg s2  }
0xa7: {  	[dreg:$0x3] =	wrdreg s4  }
0xa8: {  	[dreg:$0x4] =	wrdreg $0xC0  }
0xa9: {  	_ =	task [dreg:s6], $0x5FFFF  }
0xaa: {  	[dreg:$0x1] =	wrdreg $0xFFFFFFFF  }
0xab: {  	[dreg:$0x0] =	wrdreg $0x60  }
0xac: {  	[dreg:$0x2] =	wrdreg s0  }
0xad: {  	[dreg:$0x3] =	wrdreg s16  }
0xae: {  	[dreg:$0x4] =	wrdreg s22  }
0xaf: {  	[dreg:$0x5] =	wrdreg $0x9  }
0xb0: {  	_ =	task.clear_ibuf [dreg:s6], $0x6FFFF;
	_ =	strace $0x90000049  }
0xb1: {  	s26 =	simm.s32 $0x9;
	_ =	strace $0x8000004B  }
0xb2: {  	_ =	swait.ge [sflag:s26], $0x1  }
0xb3: {  	[sflag:s26] =	ssyncadd.s32 $0xFFFFFFFF  }
0xb4: {  	_ =	strace $0x9000004B  }
0xb5: {  	_ =	sfence  }
0xb6: {  	s28 =	sld [smem:$0x0];
	_ =	sdelay $0x1  }
0xb7: {  	s29 =	srdreg.scid  }
0xb8: {  	s30 =	sshll.u32 s29, $0xD;
	s31 =	sshrl.u32 s29, $0x2  }
0xb9: {  	s1 =	sand.u32 $0x1, s29;
	s2 =	sand.u32 $0x4000, s30;
	s0 =	sadd.s32 s31, s28  }
0xba: {  	s1 =	sor.u32 s2, s1;
	s0 =	sshll.u32 s0, $0x11  }
0xbb: {  	s0 =	sor.u32 s0, s1  }
0xbc: {  	s0 =	sadd.s32 $0x8F2B, s0  }
0xbd: {  	[sflag:s0] =	ssyncadd.remote.s32 $0x1  }
0xbe: {  	_ =	sfence.sel $0xFFFF  }
0xbf: {  	[dreg:$0x0] =	wrdreg $0xFFFFFFFF;
	(pc) =	sbr.abs _section_cstart, $3  }
0xc0: {  	[dreg:$0x1] =	wrdreg $0xFFFFFFFF  }
0xc1: {  	_ =	task.clear_ibuf [dreg:s6], $0x2FFFF;
	_ =	strace $0x9FFFFFFF  }
0xc2: {  	(tm) =	ssettm $0x7FFFFFFF  }
0xc3: {  	_ =	shalt  }
tec
execute0_lowered:
.L_overlay_start_1:
0x0: {  	(tag) =	ssettag $0x1  }
0x1: {  	s2 =	rddreg [dreg:$0x0]  }
0x2: {  	s3 =	rddreg [dreg:$0x1]  }
0x3: {  	s0 =	stileid.u32;
	s6 =	rddreg [dreg:$0x2]  }
0x4: {  	s1 =	rddreg [dreg:$0x3];
	_ =	strace $0x8000004A;
	s4 =	sshll.u32 s0, $0x4  }
0x5: {  	s7 =	simm.s32 $0x1;
	s30 =	simm.s32 $0x2;
	s5 =	ssub.s32 $0x430, s4  }
0x6: {  	s31 =	simm.s32 $0x3;
	s11 =	simm.s32 $0x0;
	s8 =	sand.u32 $0xF0, s5  }
0x7: {  	s9 =	simm.s32 $0x0;
	[sflag:s7] =	ssyncpa.u1 $0x0;
	p0 =	sne.s32 s8, $0x0  }
0x8: {  	s6 =	sadd.s32 $0x1000, s6;
	s5 =	sshrl.u32 s5, $0x8;
	s7 =	simm.s32 @!p0 $0x0  }
0x9: {  	[sflag:s30] =	ssyncpa.u1 $0x0;
	s10 =	smov.u32 s4;
	s5 =	sadd.s32 s7, s5  }
0xa: {  	[sflag:s31] =	ssyncpa.u1 $0x0;
	s8 =	simm.s32 $0x0;
	s7 =	sadd.s32 $0x1, s5  }
.LBB2_1:
0xb: {  	p0 =	sge.u32 s9, s5  }
0xc: {  	s31 =	sadd.s32 $0xFFFFFFFF, s9;
	s12 =	sxor.u32 @!p0 $0xFFFFFFFF, s8;
	s13 =	sshrl.u32 @!p0 s10, $0x3  }
0xd: {  	s14 =	sand.u32 @!p0 $0x7, s10;
	s12 =	sand.u32 @!p0 $0x10, s12;
	s13 =	sadd.s32 @!p0 s3, s13  }
0xe: {  	[tilespmem:s12], [sflag:$0x2] =	stream.linear.gather @!p0 [hbm4b:s13+s14], $0x10, $0x38;
	[tilespmem:$0x40] =	vst v63  }
0xf: {  	p0 =	sge.u32 s31, s5  }
0x10: {  	s12 =	simm.s32 @!p0 $0x2  }
0x11: {  	_ =	swait.ge @!p0 [sflag:s12], $0x10  }
0x12: {  	[sflag:s12] =	ssyncset.done @!p0 $0x0  }
0x13: {  	[sflag:s12] =	ssyncadd.s32 @!p0 $0xFFFFFFF0;
	s12 =	sand.u32 @!p0 $0x10, s8  }
0x14: {  	(ifvalue) =	ssetifvalue @!p0 $0x7FFFFFFF;
	v0 =	vld.msk @!p0 [tilespmem:s12+$0x0 ss:$0x1], $0xffff;
	_ =	sdelay $0x4  }
0x15: {  	vm0 =	vgt.s32 @!p0 v0, $0x0  }
0x16: {  	v0 =	vnsel @!p0 vm0, $0x0, v0  }
0x17: {  	v0 =	vmin.u32 @!p0 v0, $0x1869F;
	_ =	sdelay $0x3  }
0x18: {  	s13 =	simm.s32 @!p0 $0x0;
	s12 =	sor.u32 @!p0 $0x20, s12;
	(ifvalue) =	ssetifvalue @!p0 $0x7FFFFFFF;
	vm0 =	vmmov @!p0 $0xffff  }
0x19: {  	[tilespmem:s12], [sflag:$0x1] =	stream.indirect_vreg.gather @!p0 [hbm4b:s2+s13], $0x1, v0, vm0, $0x4038;
	[tilespmem:$0x40] =	vst v63  }
0x1a: {  	s13 =	simm.s32 @!p0 $0x1  }
0x1b: {  	_ =	swait.ge @!p0 [sflag:s13], $0x10  }
0x1c: {  	s14 =	sshrl.u32 @!p0 s11, $0x3;
	[sflag:s13] =	ssyncset.done @!p0 $0x0  }
0x1d: {  	s11 =	sand.u32 @!p0 $0x7, s11;
	[sflag:s13] =	ssyncadd.s32 @!p0 $0xFFFFFFF0;
	s13 =	sadd.s32 @!p0 s6, s14  }
0x1e: {  	[hbm4b:s13+s11] =	stream.linear.scatter @!p0 [tilespmem:s12], [sflag:$0x3], $0x10, $0x38;
	[tilespmem:$0x40] =	vst v63  }
0x1f: {  	s13 =	sadd.s32 $0x100, s10  }
0x20: {  	p1 =	sgt.s32 s13, $0x42F  }
0x21: {  	s13 =	smov.u32 @p1 s4;
	p1 =	sne.s32 s9, s7  }
.Ltmp0:
0x22: {  	p0 =	slt.u32 s9, $0x2;
	(pc) =	sbr.rel @p1 .LBB2_1-.Ltmp0, $4  }
0x23: {  	s12 =	simm.s32 @!p0 $0x3  }
0x24: {  	_ =	swait.ge @!p0 [sflag:s12], $0x10  }
0x25: {  	s8 =	sadd.s32 $0x10, s8;
	s11 =	smov.u32 s10;
	[sflag:s12] =	ssyncset.done @!p0 $0x0  }
0x26: {  	s9 =	sadd.s32 $0x1, s9;
	s10 =	smov.u32 s13;
	[sflag:s12] =	ssyncadd.s32 @!p0 $0xFFFFFFF0  }
0x27: {  	_ =	sfence.sel $0x180000  }
0x28: {  	s2 =	simm.s32 $0x2;
	[bflag:$0x0] =	sbarrier.arrive $0xFFFF  }
0x29: {  	s30 =	simm.s32 $0x3;
	[sflag:s2] =	ssyncpa.u1 $0x1  }
0x2a: {  	s31 =	simm.s32 $0x1;
	[sflag:s30] =	ssyncpa.u1 $0x1  }
0x2b: {  	[sflag:s31] =	ssyncpa.u1 $0x1  }
0x2c: {  	p0 =	sne.s32 s0, $0x0;
	_ =	strace $0x9000004A  }
0x2d: {  	s0 =	sadd.s32 @!p0 $0x100000, s1;
	[bflag:$0x2] =	sbarrier.arrive $0xFFFF  }
0x2e: {  	[sflag:s0] =	ssyncadd.tile.s32 @!p0 $0x1;
	_ =	shalt  }
.Lfunc_end2:
_tile_overlayer_lowered:
.L_overlay_start_2:
0x2f: {  	(tag) =	ssettag $0x2  }
0x30: {  	s0 =	rddreg [dreg:$0x0];
	s2 =	stileid.u32  }
0x31: {  	s1 =	rddreg [dreg:$0x1];
	p0 =	sne.s32 s2, $0x0  }
0x32: {  	s3 =	rddreg [dreg:$0x2];
	[bflag:$0x3] =	sbarrier.arrive $0xFFFF;
	s2 =	simm.s32 @!p0 $0x1C01  }
0x33: {  	[timem:s3], [sflag:s2] =	dma.local @!p0 [hbm:s0], s1  }
0x34: {  	s0 =	simm.s32 @!p0 $0x1  }
0x35: {  	_ =	swait.ge @!p0 [sflag:s0], s1  }
0x36: {  	s1 =	ssub.s32 @!p0 $0x0, s1;
	[sflag:s0] =	ssyncset.done @!p0 $0x0  }
0x37: {  	[sflag:s0] =	ssyncadd.s32 @!p0 s1  }
0x38: {  	[bflag:$0x3] =	sbarrier.arrive $0xFFFF  }
0x39: {  	_ =	shalt  }

// kernel: kernel.3.cloned.1.call-start
scs
__scs_entry_jumppad:
0x0: {  	(pc) =	sbr.rel $0x88, $3  }
0x1: {  	(tag) =	ssettag $0x0;
	lr =	simm.s32 $0x1  }
0x2: {  	[smem:$0x3F9E] =	sst lr;
	_ =	strace $0xD0000000  }
0x3: {  	_ = 	snop  }
0x4: {  	_ = 	snop  }
0x5: {  	_ = 	snop  }
0x6: {  	_ = 	snop  }
0x7: {  	_ = 	snop  }
__scs_overlays_trampoline_lowered:
0x8: {  	[smem:$0x3FAD] =	sst s0  }
0x9: {  	[smem:$0x3FAE] =	sst s1  }
0xa: {  	[smem:$0x3FAF] =	sst s2  }
0xb: {  	[smem:$0x3FB0] =	sst s3  }
0xc: {  	[smem:$0x3FB1] =	sst s4  }
0xd: {  	[smem:$0x3FB2] =	sst s5  }
0xe: {  	[smem:$0x3FB3] =	sst s6  }
0xf: {  	[smem:$0x3FB4] =	sst s7  }
0x10: {  	[smem:$0x3FB5] =	sst s8  }
0x11: {  	[smem:$0x3FB6] =	sst s9;
	s0 =	simm.s32 @!p0 $0x0  }
0x12: {  	s1 =	sld [smem:$0x3F9C];
	s0 =	simm.s32 @p0 $0x1  }
0x13: {  	[smem:$0x3FB7] =	sst s0;
	s0 =	simm.s32 @!p1 $0x0  }
0x14: {  	s2 =	sld [smem:$0x3F9B];
	s0 =	simm.s32 @p1 $0x1  }
0x15: {  	[smem:$0x3FB8] =	sst s0;
	s0 =	simm.s32 @!p2 $0x0  }
0x16: {  	s3 =	sld [smem:$0x3FDB];
	s0 =	simm.s32 @p2 $0x1  }
0x17: {  	s4 =	simm.s32 $0x1BF5;
	[smem:$0x3FBA] =	sst s0  }
0x18: {  	s0 =	sld [smem:$0x3F9D];
	_ =	swait.ge [sflag:s4], $0x0  }
0x19: {  	s7 =	sld [smem:$0x3F9E]  }
0x1a: {  	s8 =	sadd.s32 $0xFFFFE003, lr  }
0x1b: {  	s9 =	sadd.s32 $0xFFFFFEF7, lr;
	s5 =	simm.s32 $0xFFFFFFFF;
	p2 =	slt.u32 s8, $0xFFFFF086  }
0x1c: {  	p1 =	slt.u32 s9, $0xF7A;
	s5 =	simm.s32 @!p2 $0x0  }
0x1d: {  	s5 =	simm.s32 @p1 $0x1;
	p0 =	seq.s32 s7, s2  }
0x1e: {  	s7 =	smul.u32 @!p0 $0xF7A, s2;
	p2 =	seq.s32 @!p0 s5, $0x0  }
0x1f: {  	s9 =	smul.u32 $0xF7A, s1;
	s8 =	simm.s32 @!p0 $0x1BF5;
	p2 =	por !p2, p0  }
0x20: {  	[sflag:s8] =	ssyncset.s32 @!p0 $0xFFFFF086;
	s6 =	sadd.s32 @!p0 s3, s7;
	s7 =	simm.s32 @!p0 $0x108  }
0x21: {  	s3 =	sadd.s32 s3, s9;
	s6 =	sadd.s32 @!p0 $0x88, s6;
	s7 =	simm.s32 @p2 $0x1082  }
0x22: {  	[simem:s7], [sflag:s8] =	dma.local @!p0 [hbm:s6], $0xF7A  }
0x23: {  	s9 =	sor.u32 $0xD0000000, s2;
	s6 =	simm.s32 $0x108;
	_ =	swait.ge @!p0 [sflag:s8], $0x0  }
0x24: {  	s3 =	sadd.s32 $0x88, s3;
	s6 =	simm.s32 @!p1 $0x1082;
	[sflag:s4] =	ssyncset.s32 $0xFFFFF086  }
0x25: {  	[simem:s6], [sflag:s4] =	dma.local [hbm:s3], $0xF7A  }
0x26: {  	[smem:$0x3F9E] =	sst s1;
	(tag) =	ssettag s2;
	_ =	strace s9  }
0x27: {  	s1 =	sld [smem:$0x3FAE]  }
0x28: {  	s2 =	sld [smem:$0x3FAF]  }
0x29: {  	s4 =	sld [smem:$0x3FB1]  }
0x2a: {  	p0 =	seq.s32 s5, $0x0;
	s5 =	sld [smem:$0x3FB2]  }
0x2b: {  	s6 =	sld [smem:$0x3FB3]  }
0x2c: {  	s7 =	sld [smem:$0x3FB4]  }
0x2d: {  	s3 =	simm.s32 $0x108;
	s8 =	sld [smem:$0x3FB5]  }
0x2e: {  	s3 =	simm.s32 @!p0 $0x1082;
	s9 =	sld [smem:$0x3FB6]  }
0x2f: {  	lr =	sadd.s32 s0, s3;
	s0 =	sld [smem:$0x3FAD]  }
0x30: {  	s3 =	sld [smem:$0x3FB0]  }
0x31: {  	[smem:$0x3FB9] =	sst s10  }
0x32: {  	s10 =	sld [smem:$0x3FB7];
	_ =	sdelay $0x3  }
0x33: {  	p0 =	seq.s32 s10, $0x1;
	s10 =	sld [smem:$0x3FB9];
	_ =	sdelay $0x3  }
0x34: {  	[smem:$0x3FB9] =	sst s10  }
0x35: {  	s10 =	sld [smem:$0x3FB8];
	_ =	sdelay $0x3  }
0x36: {  	p1 =	seq.s32 s10, $0x1;
	s10 =	sld [smem:$0x3FB9];
	_ =	sdelay $0x3  }
0x37: {  	[smem:$0x3FB9] =	sst s10  }
0x38: {  	s10 =	sld [smem:$0x3FBA]  }
0x39: {  	_ = 	snop;
	(pc) =	sbr.ind lr, $3  }
0x3a: {  	_ = 	snop  }
0x3b: {  	_ = 	snop  }
0x3c: {  	p2 =	seq.s32 s10, $0x1;
	s10 =	sld [smem:$0x3FB9]  }
0x3d: {  	_ =	shalt  }
0x3e: {  	_ =	shalt  }
0x3f: {  	_ =	shalt  }
0x40: {  	_ =	shalt  }
0x41: {  	_ =	shalt  }
0x42: {  	_ =	shalt  }
0x43: {  	_ =	shalt  }
0x44: {  	_ =	shalt  }
0x45: {  	_ =	shalt  }
0x46: {  	_ =	shalt  }
0x47: {  	_ =	shalt  }
0x48: {  	_ =	shalt  }
0x49: {  	_ =	shalt  }
0x4a: {  	_ =	shalt  }
0x4b: {  	_ =	shalt  }
0x4c: {  	_ =	shalt  }
0x4d: {  	_ =	shalt  }
0x4e: {  	_ =	shalt  }
0x4f: {  	_ =	shalt  }
0x50: {  	_ =	shalt  }
0x51: {  	_ =	shalt  }
0x52: {  	_ =	shalt  }
0x53: {  	_ =	shalt  }
0x54: {  	_ =	shalt  }
0x55: {  	_ =	shalt  }
0x56: {  	_ =	shalt  }
0x57: {  	_ =	shalt  }
0x58: {  	_ =	shalt  }
0x59: {  	_ =	shalt  }
0x5a: {  	_ =	shalt  }
0x5b: {  	_ =	shalt  }
0x5c: {  	_ =	shalt  }
0x5d: {  	_ =	shalt  }
0x5e: {  	_ =	shalt  }
0x5f: {  	_ =	shalt  }
0x60: {  	_ =	shalt  }
0x61: {  	_ =	shalt  }
0x62: {  	_ =	shalt  }
0x63: {  	_ =	shalt  }
0x64: {  	_ =	shalt  }
0x65: {  	_ =	shalt  }
0x66: {  	_ =	shalt  }
0x67: {  	_ =	shalt  }
0x68: {  	_ =	shalt  }
0x69: {  	_ =	shalt  }
0x6a: {  	_ =	shalt  }
0x6b: {  	_ =	shalt  }
0x6c: {  	_ =	shalt  }
0x6d: {  	_ =	shalt  }
0x6e: {  	_ =	shalt  }
0x6f: {  	_ =	shalt  }
0x70: {  	_ =	shalt  }
0x71: {  	_ =	shalt  }
0x72: {  	_ =	shalt  }
0x73: {  	_ =	shalt  }
0x74: {  	_ =	shalt  }
0x75: {  	_ =	shalt  }
0x76: {  	_ =	shalt  }
0x77: {  	_ =	shalt  }
0x78: {  	_ =	shalt  }
0x79: {  	_ =	shalt  }
0x7a: {  	_ =	shalt  }
0x7b: {  	_ =	shalt  }
0x7c: {  	_ =	shalt  }
0x7d: {  	_ =	shalt  }
0x7e: {  	_ =	shalt  }
0x7f: {  	_ =	shalt  }
0x80: {  	_ =	shalt  }
0x81: {  	_ =	shalt  }
0x82: {  	_ =	shalt  }
0x83: {  	_ =	shalt  }
0x84: {  	_ =	shalt  }
0x85: {  	_ =	shalt  }
0x86: {  	_ =	shalt  }
0x87: {  	_ =	shalt  }
.Lfunc_end0:
.L_simem_size_0:
called_computation.1_lowered:
.L_overlay_start_0:
0x88: {  	s2 =	sld [smem:$0x3FD9]  }
0x89: {  	s3 =	sld [smem:$0x3FFE];
	_ =	sdelay $0x1  }
0x8a: {  	s1 =	srdreg.scid  }
0x8b: {  	s0 =	sand.u32 $0x1, s1  }
0x8c: {  	s17 =	sshll.u32 s0, $0xA;
	s2 =	sadd.s32 s3, s2  }
0x8d: {  	s2 =	sadd.s32 s2, s17  }
0x8e: {  	[smem:$0x3FC5] =	sst s2  }
0x8f: {  	_ = 	snop  }
0x90: {  	s2 =	sld [smem:$0x3FC9]  }
0x91: {  	s18 =	sld [smem:$0x3FD0];
	(tm) =	ssettm $0x1  }
0x92: {  	s4 =	sld [smem:$0x3FFB];
	_ =	sdelay $0x3  }
0x93: {  	_ =	strace s4  }
0x94: {  	s4 =	sld [smem:$0x3FFC];
	_ =	sdelay $0x3  }
0x95: {  	_ =	strace s4  }
0x96: {  	s4 =	sld [smem:$0x3FFD];
	_ =	sdelay $0x3  }
0x97: {  	_ =	strace s4  }
0x98: {  	_ =	strace $0x8FFFFFFF  }
0x99: {  	s19 =	sld [smem:$0x3FDB];
	_ =	sdelay $0x1  }
0x9a: {  	s5 =	simm.s32 $_scs_section_size  }
0x9b: {  	s6 =	simm.s32 $_size__tile_overlayer_lowered;
	s7 =	simm.s32 $_tile_overlayer_lowered  }
0x9c: {  	s22 =	simm.s32 $0x1BFF;
	s21 =	sshll.u32 s7, $0x1;
	s4 =	sadd.s32 s5, s19  }
0x9d: {  	s8 =	simm.s32 $0x0;
	s20 =	sshll.u32 s6, $0x1;
	s6 =	sadd.s32 s21, s4  }
0x9e: {  	[timem:s8], [sflag:s22] =	dma.local [hbm:s6], s20  }
0x9f: {  	_ =	swait.ge [sflag:s22], s20  }
0xa0: {  	s5 =	ssub.s32 $0x0, s20;
	[sflag:s22] =	ssyncset.done $0x0  }
0xa1: {  	[sflag:s22] =	ssyncadd.s32 s5;
	_ =	sdelay $0x1  }
0xa2: {  	s23 =	simm.s32 $0x1B8B  }
0xa3: {  	_ =	swait.ge [sflag:s23], $0x1  }
0xa4: {  	[sflag:s23] =	ssyncset.done $0x0  }
0xa5: {  	s25 =	simm.s32 $0x1B8E;
	s24 =	sld [smem:$0x3FFE];
	[sflag:s23] =	ssyncadd.s32 $0xFFFFFFFF  }
0xa6: {  	s26 =	simm.s32 $execute0_lowered;
	[smem:$0x3FD2] =	sst s25  }
0xa7: {  	s6 =	sshll.u32 s26, $0x1;
	_ =	strace $0x80000046;
	[dreg:$0x1] =	wrdreg $0xFFFFFFFF  }
0xa8: {  	s28 =	simm.s32 $_size_execute0_lowered;
	s4 =	sadd.s32 s4, s6;
	[dreg:$0x0] =	wrdreg $0x0  }
0xa9: {  	s6 =	sshll.u32 s28, $0x1;
	[dreg:$0x2] =	wrdreg s4  }
0xaa: {  	[dreg:$0x3] =	wrdreg s6  }
0xab: {  	[dreg:$0x4] =	wrdreg $0xC0  }
0xac: {  	_ =	task [dreg:s8], $0x5FFFF  }
0xad: {  	[dreg:$0x1] =	wrdreg $0xFFFFFFFF  }
0xae: {  	[dreg:$0x0] =	wrdreg $0x60  }
0xaf: {  	[dreg:$0x2] =	wrdreg s2  }
0xb0: {  	[dreg:$0x3] =	wrdreg s24  }
0xb1: {  	[dreg:$0x4] =	wrdreg s18  }
0xb2: {  	[dreg:$0x5] =	wrdreg $0x9  }
0xb3: {  	_ =	task.clear_ibuf [dreg:s8], $0x6FFFF;
	_ =	strace $0x90000046  }
0xb4: {  	s29 =	simm.s32 $0x9;
	_ =	strace $0x80000048  }
0xb5: {  	_ =	swait.ge [sflag:s29], $0x1  }
0xb6: {  	[sflag:s29] =	ssyncadd.s32 $0xFFFFFFFF  }
0xb7: {  	_ =	strace $0x90000048  }
0xb8: {  	_ =	sfence  }
0xb9: {  	s30 =	sld [smem:$0x0];
	_ =	sdelay $0x2  }
0xba: {  	s31 =	sshll.u32 s1, $0xD;
	s1 =	sshrl.u32 s1, $0x2  }
0xbb: {  	s3 =	sand.u32 $0x4000, s31;
	s1 =	sadd.s32 s1, s30  }
0xbc: {  	s0 =	sor.u32 s3, s0;
	s1 =	sshll.u32 s1, $0x11  }
0xbd: {  	s0 =	sor.u32 s1, s0  }
0xbe: {  	s0 =	sadd.s32 $0x8F2B, s0  }
0xbf: {  	[sflag:s0] =	ssyncadd.remote.s32 $0x1  }
0xc0: {  	_ =	sfence.sel $0xFFFF  }
0xc1: {  	[dreg:$0x0] =	wrdreg $0xFFFFFFFF;
	(pc) =	sbr.abs _section_cstart, $3  }
0xc2: {  	[dreg:$0x1] =	wrdreg $0xFFFFFFFF  }
0xc3: {  	_ =	task.clear_ibuf [dreg:s8], $0x2FFFF;
	_ =	strace $0x9FFFFFFF  }
0xc4: {  	(tm) =	ssettm $0x7FFFFFFF  }
0xc5: {  	_ =	shalt  }
tec
execute0_lowered:
.L_overlay_start_1:
0x0: {  	(tag) =	ssettag $0x1  }
0x1: {  	s1 =	rddreg [dreg:$0x0]  }
0x2: {  	s2 =	srdreg.scid;
	s4 =	rddreg [dreg:$0x1]  }
0x3: {  	s0 =	stileid.u32;
	s6 =	rddreg [dreg:$0x2]  }
0x4: {  	s3 =	simm.s32 $0x0;
	s10 =	simm.s32 $0x5030;
	s11 =	simm.s32 $0x4030  }
0x5: {  	s12 =	simm.s32 $0x0;
	s5 =	sand.u32 $0x1, s2;
	s2 =	rddreg [dreg:$0x3]  }
0x6: {  	s7 =	sshll.u32 s0, $0x6;
	[smem:$0x7FF] =	sst s3;
	s8 =	sshll.u32 s5, $0x5  }
.Ltmp0:
0x7: {  	s5 =	ssub.s32 $0x2, s5;
	s7 =	sor.u32 s8, s7;
	(pc) =	sbr.rel .LBB2_1-.Ltmp0, $4  }
0x8: {  	_ =	strace $0x80000047;
	s9 =	sshrl.u32 s5, $0x1;
	s8 =	sshrl.u32 s7, $0x3  }
0x9: {  	s7 =	sshll.u32 s7, $0x4;
	s9 =	ssub.s32 s5, s9;
	s8 =	sadd.s32 s8, s4  }
0xa: {  	s4 =	sadd.s32 $0xE00, s4;
	s6 =	sadd.s32 s6, s7;
	s7 =	smax.u32 s9, $0x1  }
0xb: {  	s9 =	simm.s32 $0x1;
	s5 =	sadd.s32 $0x1000, s8;
	s8 =	simm.s32 $0x4000  }
.LBB2_11:
0xc: {  	s12 =	sadd.s32 $0x1, s12  }
0xd: {  	p0 =	sne.s32 s12, s7  }
.Ltmp1:
0xe: {  	_ = 	snop;
	(pc) =	sbr.rel @!p0 .LBB2_12-.Ltmp1, $4  }
0xf: {  	[hbm4b:s6+s3] =	stream.linear.scatter [tilespmem:s11], [sflag:$0x1], $0x1000, $0x38;
	[tilespmem:$0x5070] =	vst v63  }
0x10: {  	_ =	swait.ge [sflag:s9], $0x1000  }
0x11: {  	[sflag:s9] =	ssyncset.done $0x0  }
0x12: {  	[sflag:s9] =	ssyncadd.s32 $0xFFFFF000  }
.LBB2_1:
0x13: {  	[tilespmem:s8], [sflag:$0x1] =	stream.linear.gather [hbm4b:s5+s3], $0x30, $0x38;
	[tilespmem:$0x5070] =	vst v63  }
0x14: {  	_ =	swait.ge [sflag:s9], $0x30  }
0x15: {  	[sflag:s9] =	ssyncset.done $0x0  }
0x16: {  	[sflag:s9] =	ssyncadd.s32 $0xFFFFFFD0  }
0x17: {  	[tilespmem:s10], [sflag:$0x1] =	stream.linear.gather [hbm4b:s4+s3], $0x40, $0x38;
	[tilespmem:$0x5070] =	vst v63  }
0x18: {  	_ =	swait.ge [sflag:s9], $0x40  }
.Ltmp2:
0x19: {  	[sflag:s9] =	ssyncset.done $0x0;
	(pc) =	sbr.rel .LBB2_2-.Ltmp2, $4  }
0x1a: {  	[sflag:s9] =	ssyncadd.s32 $0xFFFFFFC0  }
0x1b: {  	v0 =	vld [tilespmem:$0x5030]  }
0x1c: {  	v1 =	vld [tilespmem:$0x5040]  }
0x1d: {  	s13 =	simm.s32 $0x0;
	v2 =	vld [tilespmem:$0x5050]  }
.LBB2_3:
0x1e: {  	v12 =	vimm.f32 $-3.402823470e+38  }
0x1f: {  	v18 =	vimm.f32 $0.0e+00;
	v17 =	vimm.f32 $0.0e+00;
	v16 =	vimm.f32 $0.0e+00  }
0x20: {  	v13 =	vimm.f32 $0.0e+00;
	v10 =	vimm.f32 $0.0e+00;
	v8 =	vimm.f32 $0.0e+00  }
0x21: {  	v6 =	vimm.f32 $0.0e+00;
	v3 =	vimm.f32 $0.0e+00;
	v15 =	vimm.f32 $-3.402823470e+38  }
0x22: {  	v14 =	vimm.f32 $-3.402823470e+38;
	v11 =	vimm.f32 $-3.402823470e+38;
	v9 =	vimm.f32 $-3.402823470e+38  }
0x23: {  	v7 =	vimm.f32 $-3.402823470e+38;
	v5 =	vimm.f32 $-3.402823470e+38;
	v4 =	vimm.f32 $-3.402823470e+38  }
.LBB2_10:
0x24: {  	s14 =	scvt.s32.f32 s14;
	_ =	sdelay $0x1  }
0x25: {  	v19 =	vmov s14  }
0x26: {  	v20 =	vmax.f32 v19, $1.000000000e+00  }
0x27: {  	(erf) = vrcp.f32 v20;
	_ =	sdelay $0x8  }
0x28: {  	v20 =	vpop (erf)  }
0x29: {  	v20 =	vmul.f32 v20, v0  }
0x2a: {  	v19 =	vmin.f32 v19, $1.000000000e+00  }
0x2b: {  	v19 =	vmul.f32 v19, v1;
	v20 =	vadd.f32 v20, v2;
	_ =	sdelay $0x1  }
0x2c: {  	v12 =	vmul.f32 v12, v19;
	v18 =	vmul.f32 v18, v20  }
0x2d: {  	v15 =	vmul.f32 v15, v19;
	v17 =	vmul.f32 v17, v20  }
0x2e: {  	s31 =	sshll.u32 s13, $0x7;
	v14 =	vmul.f32 v14, v19;
	v16 =	vmul.f32 v16, v20;
	v12 =	vadd.f32 v12, v18  }
0x2f: {  	s14 =	sand.u32 $0x3FFFFF80, s31;
	v11 =	vmul.f32 v11, v19;
	v13 =	vmul.f32 v13, v20;
	v15 =	vadd.f32 v15, v17  }
0x30: {  	v9 =	vmul.f32 v9, v19;
	v10 =	vmul.f32 v10, v20;
	v63 =	vadd.f32 v14, v16;
	[tilespmem:s14+$0x4030] =	vst v12  }
0x31: {  	s13 =	sadd.s32 $0x1, s13;
	v7 =	vmul.f32 v7, v19;
	v8 =	vmul.f32 v8, v20;
	v11 =	vadd.f32 v11, v13;
	[tilespmem:s14+$0x4040] =	vst v15  }
0x32: {  	p0 =	sne.s32 s13, $0x20;
	v5 =	vmul.f32 v5, v19;
	v6 =	vmul.f32 v6, v20;
	v9 =	vadd.f32 v9, v10;
	[tilespmem:s14+$0x4050] =	vst v63  }
.Ltmp3:
0x33: {  	v4 =	vmul.f32 v4, v19;
	v3 =	vmul.f32 v3, v20;
	v7 =	vadd.f32 v7, v8;
	[tilespmem:s14+$0x4060] =	vst v11;
	(pc) =	sbr.rel @!p0 .LBB2_11-.Ltmp3, $4  }
0x34: {  	v5 =	vadd.f32 v5, v6;
	[tilespmem:s14+$0x4070] =	vst v9  }
0x35: {  	v3 =	vadd.f32 v4, v3;
	[tilespmem:s14+$0x4080] =	vst v7  }
0x36: {  	[tilespmem:s14+$0x4090] =	vst v5  }
0x37: {  	[tilespmem:s14+$0x40A0] =	vst v3  }
.LBB2_2:
0x38: {  	v3 =	vld [tilespmem:s13+$0x4000];
	_ =	sdelay $0x4  }
0x39: {  	(v2sf) =	vpush v3, $0x0  }
0x3a: {  	(v2sf) =	vpush v3, $0x1;
	_ =	sdelay $0xd  }
0x3b: {  	s15 =	spop (v2sf)  }
0x3c: {  	s14 =	spop (v2sf)  }
0x3d: {  	s14 =	ssub.s32 s14, s15  }
0x3e: {  	s16 =	sadd.s32 $0x7F, s14  }
0x3f: {  	s17 =	sand.u32 $0x7F, s16  }
0x40: {  	s31 =	sshra.s32 s16, $0x1F;
	p1 =	slt.s32 s16, $0x1;
	p0 =	sne.s32 s17, $0x0  }
0x41: {  	s17 =	sshrl.u32 s31, $0x19;
	p0 =	por !p1, !p0  }
0x42: {  	s16 =	sadd.s32 s17, s16;
	s17 =	simm.s32 $0x1;
	p0 =	por !p0, !p0  }
0x43: {  	s16 =	sshra.s32 s16, $0x7;
	s17 =	simm.s32 @!p0 $0x0  }
0x44: {  	s16 =	ssub.s32 s16, s17  }
0x45: {  	p0 =	slt.s32 s16, $0x1  }
.Ltmp4:
0x46: {  	_ = 	snop;
	(pc) =	sbr.rel @p0 .LBB2_3-.Ltmp4, $1  }
0x47: {  	_ =	sdelay $0x3  }
0x48: {  	v3 =	vimm.f32 $0.0e+00  }
.Ltmp5:
0x49: {  	v4 =	vimm.f32 $-3.402823470e+38;
	v5 =	vimm.f32 $-3.402823470e+38;
	v7 =	vimm.f32 $-3.402823470e+38;
	(pc) =	sbr.rel .LBB2_5-.Ltmp5, $4  }
0x4a: {  	v9 =	vimm.f32 $-3.402823470e+38;
	v11 =	vimm.f32 $-3.402823470e+38;
	v14 =	vimm.f32 $-3.402823470e+38  }
0x4b: {  	v15 =	vimm.f32 $-3.402823470e+38;
	v12 =	vimm.f32 $-3.402823470e+38;
	v6 =	vimm.f32 $0.0e+00  }
0x4c: {  	s17 =	sshll.u32 s15, $0x9;
	v8 =	vimm.f32 $0.0e+00;
	v10 =	vimm.f32 $0.0e+00;
	v13 =	vimm.f32 $0.0e+00  }
0x4d: {  	s18 =	simm.s32 $0x0;
	s19 =	smov.u32 s15;
	v16 =	vimm.f32 $0.0e+00;
	v17 =	vimm.f32 $0.0e+00;
	v18 =	vimm.f32 $0.0e+00;
	s17 =	sshra.s32 s17, $0x2  }
.LBB2_8:
0x4e: {  	v24 =	vld [tilespmem:s21+$0x50]  }
0x4f: {  	v25 =	vld [tilespmem:s21+$0x60]  }
0x50: {  	v12 =	vmax.f32 v12, v23;
	v15 =	vmax.f32 v15, v20  }
0x51: {  	v14 =	vmax.f32 v14, v21;
	v18 =	vadd.f32 v23, v18;
	v17 =	vadd.f32 v20, v17  }
0x52: {  	v11 =	vmax.f32 v11, v22;
	v16 =	vadd.f32 v21, v16;
	v13 =	vadd.f32 v22, v13  }
0x53: {  	v9 =	vmax.f32 v9, v19;
	v10 =	vadd.f32 v19, v10;
	v8 =	vadd.f32 v24, v8  }
0x54: {  	v7 =	vmax.f32 v7, v24;
	v6 =	vadd.f32 v25, v6;
	v5 =	vmax.f32 v5, v25  }
.LBB2_9:
0x55: {  	s18 =	sadd.s32 $0x1, s18  }
0x56: {  	p0 =	sne.s32 s18, s16  }
.Ltmp6:
0x57: {  	_ = 	snop;
	(pc) =	sbr.rel @!p0 .LBB2_10-.Ltmp6, $2  }
0x58: {  	_ =	sdelay $0x2  }
0x59: {  	s19 =	sadd.s32 $0x80, s19;
	s17 =	sadd.s32 $0x4000, s17  }
.LBB2_5:
0x5a: {  	s20 =	sshll.u32 s18, $0x7  }
0x5b: {  	s21 =	sadd.s32 s15, s20  }
0x5c: {  	p0 =	slt.s32 s21, $0x18620;
	s22 =	smov.u32 s21  }
0x5d: {  	s20 =	ssub.s32 s14, s20;
	s22 =	simm.s32 @!p0 $0x18620  }
0x5e: {  	p0 =	slt.s32 s20, $0x80;
	s23 =	sshll.u32 s22, $0x4  }
0x5f: {  	s20 =	simm.s32 @!p0 $0x80;
	s24 =	sand.u32 $0x1FFFFFF0, s23;
	s23 =	ssub.s32 s21, s22  }
0x60: {  	s20 =	sadd.s32 s20, s23  }
0x61: {  	p0 =	sge.s32 s23, s20  }
.Ltmp7:
0x62: {  	s31 =	sadd.s32 s1, s24;
	(pc) =	sbr.rel @p0 .LBB2_9-.Ltmp7, $4  }
0x63: {  	[tilespmem:s3], [sflag:$0x1] =	stream.linear.gather [hbm4b:s31+s3], $0x4000, $0x38;
	[tilespmem:$0x5070] =	vst v63  }
0x64: {  	_ =	swait.ge [sflag:s9], $0x4000  }
0x65: {  	[sflag:s9] =	ssyncset.done $0x0  }
0x66: {  	[sflag:s9] =	ssyncadd.s32 $0xFFFFC000  }
0x67: {  	p0 =	slt.s32 s19, $0x18620;
	s21 =	smov.u32 s19  }
0x68: {  	s21 =	simm.s32 @!p0 $0x18620  }
0x69: {  	s21 =	sshll.u32 s21, $0x9  }
0x6a: {  	s21 =	ssub.s32 $0x0, s21  }
0x6b: {  	s22 =	sshra.s32 s21, $0x2  }
0x6c: {  	s23 =	sadd.s32 $0x1, s23;
	s21 =	sadd.s32 s22, s17  }
0x6d: {  	p0 =	slt.s32 s23, s20;
	v24 =	vld [tilespmem:s21+$0x70]  }
.Ltmp8:
0x6e: {  	v23 =	vld [tilespmem:s21+$0x0];
	(pc) =	sbr.rel @!p0 .LBB2_8-.Ltmp8, $4  }
0x6f: {  	v20 =	vld [tilespmem:s21+$0x10]  }
0x70: {  	v21 =	vld [tilespmem:s21+$0x20]  }
0x71: {  	v22 =	vld [tilespmem:s21+$0x30]  }
0x72: {  	s24 =	smov.u32 s17;
	v19 =	vld [tilespmem:s21+$0x40];
	v3 =	vadd.f32 v24, v3;
	v4 =	vmax.f32 v4, v24  }
.LBB2_7:
0x73: {  	s23 =	sadd.s32 $0x1, s23;
	v24 =	vld [tilespmem:s21+$0x50];
	v18 =	vadd.f32 v23, v18;
	v12 =	vmax.f32 v12, v23;
	s24 =	sadd.s32 $0x80, s24  }
0x74: {  	v17 =	vadd.f32 v20, v17;
	v15 =	vmax.f32 v15, v20;
	p0 =	slt.s32 s23, s20;
	v25 =	vld [tilespmem:s21+$0x60];
	s21 =	sadd.s32 s22, s24  }
0x75: {  	v16 =	vadd.f32 v21, v16;
	v14 =	vmax.f32 v14, v21;
	v26 =	vld [tilespmem:s21+$0x70]  }
.Ltmp9:
0x76: {  	v13 =	vadd.f32 v22, v13;
	v11 =	vmax.f32 v11, v22;
	v23 =	vld [tilespmem:s21+$0x0];
	(pc) =	sbr.rel @p0 .LBB2_7-.Ltmp9, $4  }
0x77: {  	v10 =	vadd.f32 v19, v10;
	v9 =	vmax.f32 v9, v19;
	v20 =	vld [tilespmem:s21+$0x10]  }
0x78: {  	v21 =	vld [tilespmem:s21+$0x20];
	v8 =	vadd.f32 v24, v8;
	v7 =	vmax.f32 v7, v24  }
0x79: {  	v22 =	vld [tilespmem:s21+$0x30];
	v6 =	vadd.f32 v25, v6;
	v5 =	vmax.f32 v5, v25  }
0x7a: {  	v19 =	vld [tilespmem:s21+$0x40];
	v3 =	vadd.f32 v26, v3;
	v4 =	vmax.f32 v4, v26  }
.Ltmp10:
0x7b: {  	_ = 	snop;
	(pc) =	sbr.rel .LBB2_8-.Ltmp10, $1  }
0x7c: {  	_ =	sdelay $0x3  }
.LBB2_12:
0x7d: {  	_ =	sfence.sel $0x180000  }
0x7e: {  	[bflag:$0x0] =	sbarrier.arrive $0xFFFF  }
0x7f: {  	p0 =	sne.s32 s0, $0x0;
	_ =	strace $0x90000047  }
0x80: {  	s0 =	sadd.s32 @!p0 $0x100000, s2;
	[bflag:$0x2] =	sbarrier.arrive $0xFFFF  }
0x81: {  	[sflag:s0] =	ssyncadd.tile.s32 @!p0 $0x1;
	_ =	shalt  }
.Lfunc_end2:
_tile_overlayer_lowered:
.L_overlay_start_2:
0x82: {  	(tag) =	ssettag $0x2  }
0x83: {  	s0 =	rddreg [dreg:$0x0];
	s2 =	stileid.u32  }
0x84: {  	s1 =	rddreg [dreg:$0x1];
	p0 =	sne.s32 s2, $0x0  }
0x85: {  	s3 =	rddreg [dreg:$0x2];
	[bflag:$0x3] =	sbarrier.arrive $0xFFFF;
	s2 =	simm.s32 @!p0 $0x1C01  }
0x86: {  	[timem:s3], [sflag:s2] =	dma.local @!p0 [hbm:s0], s1  }
0x87: {  	s0 =	simm.s32 @!p0 $0x1  }
0x88: {  	_ =	swait.ge @!p0 [sflag:s0], s1  }
0x89: {  	s1 =	ssub.s32 @!p0 $0x0, s1;
	[sflag:s0] =	ssyncset.done @!p0 $0x0  }
0x8a: {  	[sflag:s0] =	ssyncadd.s32 @!p0 s1  }
0x8b: {  	[bflag:$0x3] =	sbarrier.arrive $0xFFFF  }
0x8c: {  	_ =	shalt  }

</sc_bundles>
